<compile_context>
chip_gen: v7x
topology: tpu7x:2x2x1
jax: 0.10.2.dev20260603
libtpu: 0.0.44.dev20260713+nightly
codegen_flags: <defaults>
</compile_context>

<pallas_src>
import functools

import jax
import jax.numpy as jnp
from jax import lax
from jax.experimental import pallas as pl
from jax.experimental.pallas import tpu as pltpu
from jax.experimental.pallas import tpu_sc as plsc

_N = 1 << 24
_NA = 4
_BUCKET = _N // _NA

_TC_BLK = 1 << 21
_TC_GRID = 6
_TC_N = _TC_BLK * _TC_GRID
_BPB = _BUCKET // _TC_BLK

_NW = 32
_WCHUNK = (_N - _TC_N) // _NW
_TILE = 32768
_NT = _WCHUNK // _TILE
_UNROLL = 8

_mesh = plsc.VectorSubcoreMesh(core_axis_name="c", subcore_axis_name="s")


@functools.partial(
    pl.kernel,
    mesh=_mesh,
    out_type=jax.ShapeDtypeStruct((_NA, 128), jnp.float32),
    scratch_types=[
        pltpu.VMEM((2, _TILE), jnp.float32),
        pltpu.VMEM((16,), jnp.float32),
        pltpu.SemaphoreType.DMA,
        pltpu.SemaphoreType.DMA,
    ],
)
def _sc_segsum(probs_hbm, out_hbm, buf, accv, sem0, sem1):
    cid = lax.axis_index("c")
    sid = lax.axis_index("s")
    wid = cid * 16 + sid
    base = _TC_N + wid * _WCHUNK
    sems = (sem0, sem1)

    copies = [None, None]
    copies[0] = pltpu.async_copy(
        probs_hbm.at[pl.ds(base, _TILE)], buf.at[0], sems[0])

    acc = tuple(jnp.zeros((16,), jnp.float32) for _ in range(_UNROLL))

    def _tile_sum(d, acc):
        tile = buf.at[d]

        def body(it, a):
            o = it * (_UNROLL * 16)
            return tuple(
                a[j] + tile[pl.ds(o + j * 16, 16)] for j in range(_UNROLL))

        return lax.fori_loop(0, _TILE // (16 * _UNROLL), body, acc)

    for t in range(_NT):
        d = t % 2
        if t + 1 < _NT:
            nd = (t + 1) % 2
            copies[nd] = pltpu.async_copy(
                probs_hbm.at[pl.ds(base + (t + 1) * _TILE, _TILE)],
                buf.at[nd], sems[nd])
        copies[d].wait()
        acc = _tile_sum(d, acc)

    vec = acc[0]
    for j in range(1, _UNROLL):
        vec = vec + acc[j]
    accv[...] = vec

    pltpu.sync_copy(accv, out_hbm.at[wid // 8, pl.ds((wid % 8) * 16, 16)])


def _tc_segsum_body(x_ref, o_ref):
    i = pl.program_id(0)

    @pl.when(i == 0)
    def _init():
        o_ref[...] = jnp.zeros_like(o_ref)

    blk = x_ref[...].reshape(_TC_BLK // 128, 128)
    partial = jnp.sum(blk, axis=0, keepdims=True)
    b = i // _BPB
    row = lax.broadcasted_iota(jnp.int32, (_NA, 128), 0)
    o_ref[...] += jnp.where(row == b, partial, 0.0)


def _combine_body(tc_ref, sc_ref, o_ref):
    s = jnp.sum(tc_ref[...], axis=1)
    sc_total = jnp.sum(sc_ref[...])
    idx = lax.broadcasted_iota(jnp.int32, (_NA,), 0)
    s = s + jnp.where(idx == _NA - 1, sc_total, 0.0)
    m = jnp.max(s)
    e = jnp.exp(s - m)
    o_ref[...] = e / jnp.sum(e)


@jax.jit
def kernel(probs):
    tc_partials = pl.pallas_call(
        _tc_segsum_body,
        grid=(_TC_GRID,),
        in_specs=[pl.BlockSpec((_TC_BLK,), lambda i: (i,))],
        out_specs=pl.BlockSpec((_NA, 128), lambda i: (0, 0)),
        out_shape=jax.ShapeDtypeStruct((_NA, 128), jnp.float32),
        compiler_params=pltpu.CompilerParams(
            dimension_semantics=("arbitrary",),
        ),
    )(probs)
    sc_partials = _sc_segsum(probs)
    return pl.pallas_call(
        _combine_body,
        out_shape=jax.ShapeDtypeStruct((_NA,), jnp.float32),
    )(tc_partials, sc_partials)

# --- scband reference (transcript-rebuilt; emitter-appended) ---
"""Pipeline reference for scband-policy-type-31593779429388 (READ-ONLY COPY).

The authoritative reference and input builder live on the scoring server;
editing this copy changes nothing except your own understanding.
"""

import jax, jax.numpy as jnp
import numpy as np

N_ACTIONS = 4
N_QUBITS = 24


def setup_inputs(seed: int = 0) -> dict:
    key = jax.random.key(seed)
    probs = jax.random.uniform(key, (2 ** N_QUBITS,), dtype=jnp.float32)
    return {"probs": probs}


def reference(probs):
    # Faithful translation of PolicyType.softmax(probs, beta=1) for the case
    # len(probs) != n_actions: contiguous chunk-sum (segment reduce) into
    # n_actions buckets, then softmax over the pooled policy.
    beta = 1.0
    probs_flatten = probs.flatten()
    n = probs_flatten.shape[0]
    chunk_size = n // N_ACTIONS
    # remainder = n % N_ACTIONS == 0 here (2^24 divisible by 4), so segments
    # are exactly contiguous chunks of equal size.
    segment_ids = jnp.arange(n, dtype=jnp.int32) // chunk_size
    policy = jax.ops.segment_sum(probs_flatten, segment_ids, num_segments=N_ACTIONS)
    scaled_output = policy / beta
    softmax_output = jax.nn.softmax(scaled_output, axis=0)
    return softmax_output

if __name__ == "__main__":
    import jax
    _d = setup_inputs()
    print(jax.jit(kernel)(*tuple(_d.values())))

</pallas_src>

<mosaic_0001>
#map = affine_map<(d0, d1) -> (0)>
#map1 = affine_map<(d0, d1) -> (0, 0)>
module attributes {stable_mosaic.version = 14 : i64} {
  func.func @_sc_segsum(%arg0: i32, %arg1: i32, %arg2: memref<16777216xf32, #tpu.memory_space<hbm>>, %arg3: memref<4x128xf32, #tpu.memory_space<hbm>>, %arg4: memref<2x32768xf32, #tpu.memory_space<vmem>>, %arg5: memref<16xf32, #tpu.memory_space<vmem>>, %arg6: memref<!tpu.dma_semaphore, #tpu.memory_space<semaphore_mem>>, %arg7: memref<!tpu.dma_semaphore, #tpu.memory_space<semaphore_mem>>) attributes {dimension_semantics = [#tpu.dimension_semantics<core_parallel>, #tpu.dimension_semantics<subcore_parallel>], iteration_bounds = array<i64: 2, 16>, scalar_prefetch = 0 : i64, scratch_operands = 4 : i64, tpu.core_type = #tpu.core_type<sc_vector_subcore>, window_params = [{transform_indices = #map}, {transform_indices = #map1}]} {
    %mul3A = arith.constant 16 : i32
    %mul3A_0 = arith.muli %arg0, %mul3A : i32
    %add3A = arith.addi %mul3A_0, %arg1 : i32
    %mul3A_1 = arith.constant 131072 : i32
    %mul3A_2 = arith.muli %add3A, %mul3A_1 : i32
    %add3A_3 = arith.constant 12582912 : i32
    %add3A_4 = arith.addi %add3A_3, %mul3A_2 : i32
    %dma_start3A = arith.constant 0 : i32
    %dma_start3A_5 = arith.constant 0 : i32
    %dma_start3A_6 = tpu.memref_slice %arg4[%dma_start3A, %dma_start3A_5] : memref<2x32768xf32, #tpu.memory_space<vmem>> -> memref<1x32768xf32, #tpu.memory_space<vmem>>
    %dma_start3A_7 = tpu.memref_squeeze %dma_start3A_6 : memref<1x32768xf32, #tpu.memory_space<vmem>> -> memref<32768xf32, #tpu.memory_space<vmem>>
    %dma_start3A_8 = tpu.memref_slice %arg2[%add3A_4] : memref<16777216xf32, #tpu.memory_space<hbm>> -> memref<32768xf32, #tpu.memory_space<hbm>>
    %dma_start3A_9 = arith.constant 0 : i32
    %dma_start3A_10 = tpu.memref_slice %arg4[%dma_start3A, %dma_start3A_9] : memref<2x32768xf32, #tpu.memory_space<vmem>> -> memref<1x32768xf32, #tpu.memory_space<vmem>>
    %dma_start3A_11 = tpu.memref_squeeze %dma_start3A_10 : memref<1x32768xf32, #tpu.memory_space<vmem>> -> memref<32768xf32, #tpu.memory_space<vmem>>
    %dma_start3A_12 = tpu.memref_slice %arg2[%add3A_4] : memref<16777216xf32, #tpu.memory_space<hbm>> -> memref<32768xf32, #tpu.memory_space<hbm>>
    tpu.enqueue_dma source(%dma_start3A_12 : memref<32768xf32, #tpu.memory_space<hbm>>) target(%dma_start3A_11 : memref<32768xf32, #tpu.memory_space<vmem>>) target_semaphore(%arg6 : memref<!tpu.dma_semaphore, #tpu.memory_space<semaphore_mem>>)
    %broadcast_in_dim3A = arith.constant 0.000000e+00 : f32
    %broadcast_in_dim3A_13 = vector.broadcast %broadcast_in_dim3A : f32 to vector<16xf32>
    %broadcast_in_dim3A_14 = arith.constant 0.000000e+00 : f32
    %broadcast_in_dim3A_15 = vector.broadcast %broadcast_in_dim3A_14 : f32 to vector<16xf32>
    %broadcast_in_dim3A_16 = arith.constant 0.000000e+00 : f32
    %broadcast_in_dim3A_17 = vector.broadcast %broadcast_in_dim3A_16 : f32 to vector<16xf32>
    %broadcast_in_dim3A_18 = arith.constant 0.000000e+00 : f32
    %broadcast_in_dim3A_19 = vector.broadcast %broadcast_in_dim3A_18 : f32 to vector<16xf32>
    %broadcast_in_dim3A_20 = arith.constant 0.000000e+00 : f32
    %broadcast_in_dim3A_21 = vector.broadcast %broadcast_in_dim3A_20 : f32 to vector<16xf32>
    %broadcast_in_dim3A_22 = arith.constant 0.000000e+00 : f32
    %broadcast_in_dim3A_23 = vector.broadcast %broadcast_in_dim3A_22 : f32 to vector<16xf32>
    %broadcast_in_dim3A_24 = arith.constant 0.000000e+00 : f32
    %broadcast_in_dim3A_25 = vector.broadcast %broadcast_in_dim3A_24 : f32 to vector<16xf32>
    %broadcast_in_dim3A_26 = arith.constant 0.000000e+00 : f32
    %broadcast_in_dim3A_27 = vector.broadcast %broadcast_in_dim3A_26 : f32 to vector<16xf32>
    %add3A_28 = arith.constant 32768 : i32
    %add3A_29 = arith.addi %add3A_4, %add3A_28 : i32
    %dma_start3A_30 = arith.constant 1 : i32
    %dma_start3A_31 = arith.constant 0 : i32
    %dma_start3A_32 = tpu.memref_slice %arg4[%dma_start3A_30, %dma_start3A_31] : memref<2x32768xf32, #tpu.memory_space<vmem>> -> memref<1x32768xf32, #tpu.memory_space<vmem>>
    %dma_start3A_33 = tpu.memref_squeeze %dma_start3A_32 : memref<1x32768xf32, #tpu.memory_space<vmem>> -> memref<32768xf32, #tpu.memory_space<vmem>>
    %dma_start3A_34 = tpu.memref_slice %arg2[%add3A_29] : memref<16777216xf32, #tpu.memory_space<hbm>> -> memref<32768xf32, #tpu.memory_space<hbm>>
    %dma_start3A_35 = arith.constant 0 : i32
    %dma_start3A_36 = tpu.memref_slice %arg4[%dma_start3A_30, %dma_start3A_35] : memref<2x32768xf32, #tpu.memory_space<vmem>> -> memref<1x32768xf32, #tpu.memory_space<vmem>>
    %dma_start3A_37 = tpu.memref_squeeze %dma_start3A_36 : memref<1x32768xf32, #tpu.memory_space<vmem>> -> memref<32768xf32, #tpu.memory_space<vmem>>
    %dma_start3A_38 = tpu.memref_slice %arg2[%add3A_29] : memref<16777216xf32, #tpu.memory_space<hbm>> -> memref<32768xf32, #tpu.memory_space<hbm>>
    tpu.enqueue_dma source(%dma_start3A_38 : memref<32768xf32, #tpu.memory_space<hbm>>) target(%dma_start3A_37 : memref<32768xf32, #tpu.memory_space<vmem>>) target_semaphore(%arg7 : memref<!tpu.dma_semaphore, #tpu.memory_space<semaphore_mem>>)
    %dma_wait3A = arith.constant 0 : i32
    %dma_wait3A_39 = arith.constant 0 : i32
    %dma_wait3A_40 = tpu.memref_slice %arg4[%dma_wait3A, %dma_wait3A_39] : memref<2x32768xf32, #tpu.memory_space<vmem>> -> memref<1x32768xf32, #tpu.memory_space<vmem>>
    %dma_wait3A_41 = tpu.memref_squeeze %dma_wait3A_40 : memref<1x32768xf32, #tpu.memory_space<vmem>> -> memref<32768xf32, #tpu.memory_space<vmem>>
    %dma_wait3A_42 = tpu.memref_slice %arg2[%add3A_4] : memref<16777216xf32, #tpu.memory_space<hbm>> -> memref<32768xf32, #tpu.memory_space<hbm>>
    %dma_wait3A_43 = arith.constant 0 : i32
    %dma_wait3A_44 = tpu.memref_slice %arg4[%dma_wait3A, %dma_wait3A_43] : memref<2x32768xf32, #tpu.memory_space<vmem>> -> memref<1x32768xf32, #tpu.memory_space<vmem>>
    %dma_wait3A_45 = tpu.memref_squeeze %dma_wait3A_44 : memref<1x32768xf32, #tpu.memory_space<vmem>> -> memref<32768xf32, #tpu.memory_space<vmem>>
    %dma_wait3A_46 = tpu.memref_slice %arg2[%add3A_4] : memref<16777216xf32, #tpu.memory_space<hbm>> -> memref<32768xf32, #tpu.memory_space<hbm>>
    tpu.wait_dma2 semaphore(%arg6 : memref<!tpu.dma_semaphore, #tpu.memory_space<semaphore_mem>>) src(%dma_wait3A_46 : memref<32768xf32, #tpu.memory_space<hbm>>) dst(%dma_wait3A_45 : memref<32768xf32, #tpu.memory_space<vmem>>)
    %scan3A = arith.constant 0 : i32
    %scan3A_47 = arith.constant 0 : i32
    %scan3A_48 = arith.constant 256 : i32
    %scan3A_49 = arith.addi %scan3A_47, %scan3A_48 : i32
    %scan3A_50 = arith.constant 1 : i32
    %scan3A_51:8 = scf.for %scan3A_165 = %scan3A_47 to %scan3A_49 step %scan3A_50 iter_args(%scan3A_166 = %broadcast_in_dim3A_13, %scan3A_167 = %broadcast_in_dim3A_15, %scan3A_168 = %broadcast_in_dim3A_17, %scan3A_169 = %broadcast_in_dim3A_19, %scan3A_170 = %broadcast_in_dim3A_21, %scan3A_171 = %broadcast_in_dim3A_23, %scan3A_172 = %broadcast_in_dim3A_25, %scan3A_173 = %broadcast_in_dim3A_27) -> (vector<16xf32>, vector<16xf32>, vector<16xf32>, vector<16xf32>, vector<16xf32>, vector<16xf32>, vector<16xf32>, vector<16xf32>)  : i32 {
      %mul3A_174 = arith.constant 128 : i32
      %mul3A_175 = arith.muli %scan3A_165, %mul3A_174 : i32
      %add3A_176 = arith.constant 0 : i32
      %add3A_177 = arith.addi %mul3A_175, %add3A_176 : i32
      %get3A = arith.constant 0 : i32
      %get3A_178 = tpu.memref_slice %arg4[%scan3A, %get3A] : memref<2x32768xf32, #tpu.memory_space<vmem>> -> memref<1x32768xf32, #tpu.memory_space<vmem>>
      %get3A_179 = tpu.memref_squeeze %get3A_178 : memref<1x32768xf32, #tpu.memory_space<vmem>> -> memref<32768xf32, #tpu.memory_space<vmem>>
      %get3A_180 = arith.index_cast %add3A_177 : i32 to index
      %get3A_181 = tpu.vector_load %get3A_179[%get3A_180] {strides = array<i32>} : memref<32768xf32, #tpu.memory_space<vmem>>, vector<16xf32>,
      %get3A_182 = vector.shape_cast %get3A_181 : vector<16xf32> to vector<16xf32>
      %add3A_183 = arith.addf %scan3A_166, %get3A_182 : vector<16xf32>
      %add3A_184 = arith.constant 16 : i32
      %add3A_185 = arith.addi %mul3A_175, %add3A_184 : i32
      %get3A_186 = arith.constant 0 : i32
      %get3A_187 = tpu.memref_slice %arg4[%scan3A, %get3A_186] : memref<2x32768xf32, #tpu.memory_space<vmem>> -> memref<1x32768xf32, #tpu.memory_space<vmem>>
      %get3A_188 = tpu.memref_squeeze %get3A_187 : memref<1x32768xf32, #tpu.memory_space<vmem>> -> memref<32768xf32, #tpu.memory_space<vmem>>
      %get3A_189 = arith.index_cast %add3A_185 : i32 to index
      %get3A_190 = tpu.vector_load %get3A_188[%get3A_189] {strides = array<i32>} : memref<32768xf32, #tpu.memory_space<vmem>>, vector<16xf32>,
      %get3A_191 = vector.shape_cast %get3A_190 : vector<16xf32> to vector<16xf32>
      %add3A_192 = arith.addf %scan3A_167, %get3A_191 : vector<16xf32>
      %add3A_193 = arith.constant 32 : i32
      %add3A_194 = arith.addi %mul3A_175, %add3A_193 : i32
      %get3A_195 = arith.constant 0 : i32
      %get3A_196 = tpu.memref_slice %arg4[%scan3A, %get3A_195] : memref<2x32768xf32, #tpu.memory_space<vmem>> -> memref<1x32768xf32, #tpu.memory_space<vmem>>
      %get3A_197 = tpu.memref_squeeze %get3A_196 : memref<1x32768xf32, #tpu.memory_space<vmem>> -> memref<32768xf32, #tpu.memory_space<vmem>>
      %get3A_198 = arith.index_cast %add3A_194 : i32 to index
      %get3A_199 = tpu.vector_load %get3A_197[%get3A_198] {strides = array<i32>} : memref<32768xf32, #tpu.memory_space<vmem>>, vector<16xf32>,
      %get3A_200 = vector.shape_cast %get3A_199 : vector<16xf32> to vector<16xf32>
      %add3A_201 = arith.addf %scan3A_168, %get3A_200 : vector<16xf32>
      %add3A_202 = arith.constant 48 : i32
      %add3A_203 = arith.addi %mul3A_175, %add3A_202 : i32
      %get3A_204 = arith.constant 0 : i32
      %get3A_205 = tpu.memref_slice %arg4[%scan3A, %get3A_204] : memref<2x32768xf32, #tpu.memory_space<vmem>> -> memref<1x32768xf32, #tpu.memory_space<vmem>>
      %get3A_206 = tpu.memref_squeeze %get3A_205 : memref<1x32768xf32, #tpu.memory_space<vmem>> -> memref<32768xf32, #tpu.memory_space<vmem>>
      %get3A_207 = arith.index_cast %add3A_203 : i32 to index
      %get3A_208 = tpu.vector_load %get3A_206[%get3A_207] {strides = array<i32>} : memref<32768xf32, #tpu.memory_space<vmem>>, vector<16xf32>,
      %get3A_209 = vector.shape_cast %get3A_208 : vector<16xf32> to vector<16xf32>
      %add3A_210 = arith.addf %scan3A_169, %get3A_209 : vector<16xf32>
      %add3A_211 = arith.constant 64 : i32
      %add3A_212 = arith.addi %mul3A_175, %add3A_211 : i32
      %get3A_213 = arith.constant 0 : i32
      %get3A_214 = tpu.memref_slice %arg4[%scan3A, %get3A_213] : memref<2x32768xf32, #tpu.memory_space<vmem>> -> memref<1x32768xf32, #tpu.memory_space<vmem>>
      %get3A_215 = tpu.memref_squeeze %get3A_214 : memref<1x32768xf32, #tpu.memory_space<vmem>> -> memref<32768xf32, #tpu.memory_space<vmem>>
      %get3A_216 = arith.index_cast %add3A_212 : i32 to index
      %get3A_217 = tpu.vector_load %get3A_215[%get3A_216] {strides = array<i32>} : memref<32768xf32, #tpu.memory_space<vmem>>, vector<16xf32>,
      %get3A_218 = vector.shape_cast %get3A_217 : vector<16xf32> to vector<16xf32>
      %add3A_219 = arith.addf %scan3A_170, %get3A_218 : vector<16xf32>
      %add3A_220 = arith.constant 80 : i32
      %add3A_221 = arith.addi %mul3A_175, %add3A_220 : i32
      %get3A_222 = arith.constant 0 : i32
      %get3A_223 = tpu.memref_slice %arg4[%scan3A, %get3A_222] : memref<2x32768xf32, #tpu.memory_space<vmem>> -> memref<1x32768xf32, #tpu.memory_space<vmem>>
      %get3A_224 = tpu.memref_squeeze %get3A_223 : memref<1x32768xf32, #tpu.memory_space<vmem>> -> memref<32768xf32, #tpu.memory_space<vmem>>
      %get3A_225 = arith.index_cast %add3A_221 : i32 to index
      %get3A_226 = tpu.vector_load %get3A_224[%get3A_225] {strides = array<i32>} : memref<32768xf32, #tpu.memory_space<vmem>>, vector<16xf32>,
      %get3A_227 = vector.shape_cast %get3A_226 : vector<16xf32> to vector<16xf32>
      %add3A_228 = arith.addf %scan3A_171, %get3A_227 : vector<16xf32>
      %add3A_229 = arith.constant 96 : i32
      %add3A_230 = arith.addi %mul3A_175, %add3A_229 : i32
      %get3A_231 = arith.constant 0 : i32
      %get3A_232 = tpu.memref_slice %arg4[%scan3A, %get3A_231] : memref<2x32768xf32, #tpu.memory_space<vmem>> -> memref<1x32768xf32, #tpu.memory_space<vmem>>
      %get3A_233 = tpu.memref_squeeze %get3A_232 : memref<1x32768xf32, #tpu.memory_space<vmem>> -> memref<32768xf32, #tpu.memory_space<vmem>>
      %get3A_234 = arith.index_cast %add3A_230 : i32 to index
      %get3A_235 = tpu.vector_load %get3A_233[%get3A_234] {strides = array<i32>} : memref<32768xf32, #tpu.memory_space<vmem>>, vector<16xf32>,
      %get3A_236 = vector.shape_cast %get3A_235 : vector<16xf32> to vector<16xf32>
      %add3A_237 = arith.addf %scan3A_172, %get3A_236 : vector<16xf32>
      %add3A_238 = arith.constant 112 : i32
      %add3A_239 = arith.addi %mul3A_175, %add3A_238 : i32
      %get3A_240 = arith.constant 0 : i32
      %get3A_241 = tpu.memref_slice %arg4[%scan3A, %get3A_240] : memref<2x32768xf32, #tpu.memory_space<vmem>> -> memref<1x32768xf32, #tpu.memory_space<vmem>>
      %get3A_242 = tpu.memref_squeeze %get3A_241 : memref<1x32768xf32, #tpu.memory_space<vmem>> -> memref<32768xf32, #tpu.memory_space<vmem>>
      %get3A_243 = arith.index_cast %add3A_239 : i32 to index
      %get3A_244 = tpu.vector_load %get3A_242[%get3A_243] {strides = array<i32>} : memref<32768xf32, #tpu.memory_space<vmem>>, vector<16xf32>,
      %get3A_245 = vector.shape_cast %get3A_244 : vector<16xf32> to vector<16xf32>
      %add3A_246 = arith.addf %scan3A_173, %get3A_245 : vector<16xf32>
      scf.yield %add3A_183, %add3A_192, %add3A_201, %add3A_210, %add3A_219, %add3A_228, %add3A_237, %add3A_246 : vector<16xf32>, vector<16xf32>, vector<16xf32>, vector<16xf32>, vector<16xf32>, vector<16xf32>, vector<16xf32>, vector<16xf32>
    }
    %scan3A_52 = arith.constant 256 : i32
    %add3A_53 = arith.constant 65536 : i32
    %add3A_54 = arith.addi %add3A_4, %add3A_53 : i32
    %dma_start3A_55 = arith.constant 0 : i32
    %dma_start3A_56 = arith.constant 0 : i32
    %dma_start3A_57 = tpu.memref_slice %arg4[%dma_start3A_55, %dma_start3A_56] : memref<2x32768xf32, #tpu.memory_space<vmem>> -> memref<1x32768xf32, #tpu.memory_space<vmem>>
    %dma_start3A_58 = tpu.memref_squeeze %dma_start3A_57 : memref<1x32768xf32, #tpu.memory_space<vmem>> -> memref<32768xf32, #tpu.memory_space<vmem>>
    %dma_start3A_59 = tpu.memref_slice %arg2[%add3A_54] : memref<16777216xf32, #tpu.memory_space<hbm>> -> memref<32768xf32, #tpu.memory_space<hbm>>
    %dma_start3A_60 = arith.constant 0 : i32
    %dma_start3A_61 = tpu.memref_slice %arg4[%dma_start3A_55, %dma_start3A_60] : memref<2x32768xf32, #tpu.memory_space<vmem>> -> memref<1x32768xf32, #tpu.memory_space<vmem>>
    %dma_start3A_62 = tpu.memref_squeeze %dma_start3A_61 : memref<1x32768xf32, #tpu.memory_space<vmem>> -> memref<32768xf32, #tpu.memory_space<vmem>>
    %dma_start3A_63 = tpu.memref_slice %arg2[%add3A_54] : memref<16777216xf32, #tpu.memory_space<hbm>> -> memref<32768xf32, #tpu.memory_space<hbm>>
    tpu.enqueue_dma source(%dma_start3A_63 : memref<32768xf32, #tpu.memory_space<hbm>>) target(%dma_start3A_62 : memref<32768xf32, #tpu.memory_space<vmem>>) target_semaphore(%arg6 : memref<!tpu.dma_semaphore, #tpu.memory_space<semaphore_mem>>)
    %dma_wait3A_64 = arith.constant 1 : i32
    %dma_wait3A_65 = arith.constant 0 : i32
    %dma_wait3A_66 = tpu.memref_slice %arg4[%dma_wait3A_64, %dma_wait3A_65] : memref<2x32768xf32, #tpu.memory_space<vmem>> -> memref<1x32768xf32, #tpu.memory_space<vmem>>
    %dma_wait3A_67 = tpu.memref_squeeze %dma_wait3A_66 : memref<1x32768xf32, #tpu.memory_space<vmem>> -> memref<32768xf32, #tpu.memory_space<vmem>>
    %dma_wait3A_68 = tpu.memref_slice %arg2[%add3A_29] : memref<16777216xf32, #tpu.memory_space<hbm>> -> memref<32768xf32, #tpu.memory_space<hbm>>
    %dma_wait3A_69 = arith.constant 0 : i32
    %dma_wait3A_70 = tpu.memref_slice %arg4[%dma_wait3A_64, %dma_wait3A_69] : memref<2x32768xf32, #tpu.memory_space<vmem>> -> memref<1x32768xf32, #tpu.memory_space<vmem>>
    %dma_wait3A_71 = tpu.memref_squeeze %dma_wait3A_70 : memref<1x32768xf32, #tpu.memory_space<vmem>> -> memref<32768xf32, #tpu.memory_space<vmem>>
    %dma_wait3A_72 = tpu.memref_slice %arg2[%add3A_29] : memref<16777216xf32, #tpu.memory_space<hbm>> -> memref<32768xf32, #tpu.memory_space<hbm>>
    tpu.wait_dma2 semaphore(%arg7 : memref<!tpu.dma_semaphore, #tpu.memory_space<semaphore_mem>>) src(%dma_wait3A_72 : memref<32768xf32, #tpu.memory_space<hbm>>) dst(%dma_wait3A_71 : memref<32768xf32, #tpu.memory_space<vmem>>)
    %scan3A_73 = arith.constant 1 : i32
    %scan3A_74 = arith.constant 0 : i32
    %scan3A_75 = arith.constant 256 : i32
    %scan3A_76 = arith.addi %scan3A_74, %scan3A_75 : i32
    %scan3A_77 = arith.constant 1 : i32
    %scan3A_78:8 = scf.for %scan3A_165 = %scan3A_74 to %scan3A_76 step %scan3A_77 iter_args(%scan3A_166 = %scan3A_51#0, %scan3A_167 = %scan3A_51#1, %scan3A_168 = %scan3A_51#2, %scan3A_169 = %scan3A_51#3, %scan3A_170 = %scan3A_51#4, %scan3A_171 = %scan3A_51#5, %scan3A_172 = %scan3A_51#6, %scan3A_173 = %scan3A_51#7) -> (vector<16xf32>, vector<16xf32>, vector<16xf32>, vector<16xf32>, vector<16xf32>, vector<16xf32>, vector<16xf32>, vector<16xf32>)  : i32 {
      %mul3A_174 = arith.constant 128 : i32
      %mul3A_175 = arith.muli %scan3A_165, %mul3A_174 : i32
      %add3A_176 = arith.constant 0 : i32
      %add3A_177 = arith.addi %mul3A_175, %add3A_176 : i32
      %get3A = arith.constant 0 : i32
      %get3A_178 = tpu.memref_slice %arg4[%scan3A_73, %get3A] : memref<2x32768xf32, #tpu.memory_space<vmem>> -> memref<1x32768xf32, #tpu.memory_space<vmem>>
      %get3A_179 = tpu.memref_squeeze %get3A_178 : memref<1x32768xf32, #tpu.memory_space<vmem>> -> memref<32768xf32, #tpu.memory_space<vmem>>
      %get3A_180 = arith.index_cast %add3A_177 : i32 to index
      %get3A_181 = tpu.vector_load %get3A_179[%get3A_180] {strides = array<i32>} : memref<32768xf32, #tpu.memory_space<vmem>>, vector<16xf32>,
      %get3A_182 = vector.shape_cast %get3A_181 : vector<16xf32> to vector<16xf32>
      %add3A_183 = arith.addf %scan3A_166, %get3A_182 : vector<16xf32>
      %add3A_184 = arith.constant 16 : i32
      %add3A_185 = arith.addi %mul3A_175, %add3A_184 : i32
      %get3A_186 = arith.constant 0 : i32
      %get3A_187 = tpu.memref_slice %arg4[%scan3A_73, %get3A_186] : memref<2x32768xf32, #tpu.memory_space<vmem>> -> memref<1x32768xf32, #tpu.memory_space<vmem>>
      %get3A_188 = tpu.memref_squeeze %get3A_187 : memref<1x32768xf32, #tpu.memory_space<vmem>> -> memref<32768xf32, #tpu.memory_space<vmem>>
      %get3A_189 = arith.index_cast %add3A_185 : i32 to index
      %get3A_190 = tpu.vector_load %get3A_188[%get3A_189] {strides = array<i32>} : memref<32768xf32, #tpu.memory_space<vmem>>, vector<16xf32>,
      %get3A_191 = vector.shape_cast %get3A_190 : vector<16xf32> to vector<16xf32>
      %add3A_192 = arith.addf %scan3A_167, %get3A_191 : vector<16xf32>
      %add3A_193 = arith.constant 32 : i32
      %add3A_194 = arith.addi %mul3A_175, %add3A_193 : i32
      %get3A_195 = arith.constant 0 : i32
      %get3A_196 = tpu.memref_slice %arg4[%scan3A_73, %get3A_195] : memref<2x32768xf32, #tpu.memory_space<vmem>> -> memref<1x32768xf32, #tpu.memory_space<vmem>>
      %get3A_197 = tpu.memref_squeeze %get3A_196 : memref<1x32768xf32, #tpu.memory_space<vmem>> -> memref<32768xf32, #tpu.memory_space<vmem>>
      %get3A_198 = arith.index_cast %add3A_194 : i32 to index
      %get3A_199 = tpu.vector_load %get3A_197[%get3A_198] {strides = array<i32>} : memref<32768xf32, #tpu.memory_space<vmem>>, vector<16xf32>,
      %get3A_200 = vector.shape_cast %get3A_199 : vector<16xf32> to vector<16xf32>
      %add3A_201 = arith.addf %scan3A_168, %get3A_200 : vector<16xf32>
      %add3A_202 = arith.constant 48 : i32
      %add3A_203 = arith.addi %mul3A_175, %add3A_202 : i32
      %get3A_204 = arith.constant 0 : i32
      %get3A_205 = tpu.memref_slice %arg4[%scan3A_73, %get3A_204] : memref<2x32768xf32, #tpu.memory_space<vmem>> -> memref<1x32768xf32, #tpu.memory_space<vmem>>
      %get3A_206 = tpu.memref_squeeze %get3A_205 : memref<1x32768xf32, #tpu.memory_space<vmem>> -> memref<32768xf32, #tpu.memory_space<vmem>>
      %get3A_207 = arith.index_cast %add3A_203 : i32 to index
      %get3A_208 = tpu.vector_load %get3A_206[%get3A_207] {strides = array<i32>} : memref<32768xf32, #tpu.memory_space<vmem>>, vector<16xf32>,
      %get3A_209 = vector.shape_cast %get3A_208 : vector<16xf32> to vector<16xf32>
      %add3A_210 = arith.addf %scan3A_169, %get3A_209 : vector<16xf32>
      %add3A_211 = arith.constant 64 : i32
      %add3A_212 = arith.addi %mul3A_175, %add3A_211 : i32
      %get3A_213 = arith.constant 0 : i32
      %get3A_214 = tpu.memref_slice %arg4[%scan3A_73, %get3A_213] : memref<2x32768xf32, #tpu.memory_space<vmem>> -> memref<1x32768xf32, #tpu.memory_space<vmem>>
      %get3A_215 = tpu.memref_squeeze %get3A_214 : memref<1x32768xf32, #tpu.memory_space<vmem>> -> memref<32768xf32, #tpu.memory_space<vmem>>
      %get3A_216 = arith.index_cast %add3A_212 : i32 to index
      %get3A_217 = tpu.vector_load %get3A_215[%get3A_216] {strides = array<i32>} : memref<32768xf32, #tpu.memory_space<vmem>>, vector<16xf32>,
      %get3A_218 = vector.shape_cast %get3A_217 : vector<16xf32> to vector<16xf32>
      %add3A_219 = arith.addf %scan3A_170, %get3A_218 : vector<16xf32>
      %add3A_220 = arith.constant 80 : i32
      %add3A_221 = arith.addi %mul3A_175, %add3A_220 : i32
      %get3A_222 = arith.constant 0 : i32
      %get3A_223 = tpu.memref_slice %arg4[%scan3A_73, %get3A_222] : memref<2x32768xf32, #tpu.memory_space<vmem>> -> memref<1x32768xf32, #tpu.memory_space<vmem>>
      %get3A_224 = tpu.memref_squeeze %get3A_223 : memref<1x32768xf32, #tpu.memory_space<vmem>> -> memref<32768xf32, #tpu.memory_space<vmem>>
      %get3A_225 = arith.index_cast %add3A_221 : i32 to index
      %get3A_226 = tpu.vector_load %get3A_224[%get3A_225] {strides = array<i32>} : memref<32768xf32, #tpu.memory_space<vmem>>, vector<16xf32>,
      %get3A_227 = vector.shape_cast %get3A_226 : vector<16xf32> to vector<16xf32>
      %add3A_228 = arith.addf %scan3A_171, %get3A_227 : vector<16xf32>
      %add3A_229 = arith.constant 96 : i32
      %add3A_230 = arith.addi %mul3A_175, %add3A_229 : i32
      %get3A_231 = arith.constant 0 : i32
      %get3A_232 = tpu.memref_slice %arg4[%scan3A_73, %get3A_231] : memref<2x32768xf32, #tpu.memory_space<vmem>> -> memref<1x32768xf32, #tpu.memory_space<vmem>>
      %get3A_233 = tpu.memref_squeeze %get3A_232 : memref<1x32768xf32, #tpu.memory_space<vmem>> -> memref<32768xf32, #tpu.memory_space<vmem>>
      %get3A_234 = arith.index_cast %add3A_230 : i32 to index
      %get3A_235 = tpu.vector_load %get3A_233[%get3A_234] {strides = array<i32>} : memref<32768xf32, #tpu.memory_space<vmem>>, vector<16xf32>,
      %get3A_236 = vector.shape_cast %get3A_235 : vector<16xf32> to vector<16xf32>
      %add3A_237 = arith.addf %scan3A_172, %get3A_236 : vector<16xf32>
      %add3A_238 = arith.constant 112 : i32
      %add3A_239 = arith.addi %mul3A_175, %add3A_238 : i32
      %get3A_240 = arith.constant 0 : i32
      %get3A_241 = tpu.memref_slice %arg4[%scan3A_73, %get3A_240] : memref<2x32768xf32, #tpu.memory_space<vmem>> -> memref<1x32768xf32, #tpu.memory_space<vmem>>
      %get3A_242 = tpu.memref_squeeze %get3A_241 : memref<1x32768xf32, #tpu.memory_space<vmem>> -> memref<32768xf32, #tpu.memory_space<vmem>>
      %get3A_243 = arith.index_cast %add3A_239 : i32 to index
      %get3A_244 = tpu.vector_load %get3A_242[%get3A_243] {strides = array<i32>} : memref<32768xf32, #tpu.memory_space<vmem>>, vector<16xf32>,
      %get3A_245 = vector.shape_cast %get3A_244 : vector<16xf32> to vector<16xf32>
      %add3A_246 = arith.addf %scan3A_173, %get3A_245 : vector<16xf32>
      scf.yield %add3A_183, %add3A_192, %add3A_201, %add3A_210, %add3A_219, %add3A_228, %add3A_237, %add3A_246 : vector<16xf32>, vector<16xf32>, vector<16xf32>, vector<16xf32>, vector<16xf32>, vector<16xf32>, vector<16xf32>, vector<16xf32>
    }
    %scan3A_79 = arith.constant 256 : i32
    %add3A_80 = arith.constant 98304 : i32
    %add3A_81 = arith.addi %add3A_4, %add3A_80 : i32
    %dma_start3A_82 = arith.constant 1 : i32
    %dma_start3A_83 = arith.constant 0 : i32
    %dma_start3A_84 = tpu.memref_slice %arg4[%dma_start3A_82, %dma_start3A_83] : memref<2x32768xf32, #tpu.memory_space<vmem>> -> memref<1x32768xf32, #tpu.memory_space<vmem>>
    %dma_start3A_85 = tpu.memref_squeeze %dma_start3A_84 : memref<1x32768xf32, #tpu.memory_space<vmem>> -> memref<32768xf32, #tpu.memory_space<vmem>>
    %dma_start3A_86 = tpu.memref_slice %arg2[%add3A_81] : memref<16777216xf32, #tpu.memory_space<hbm>> -> memref<32768xf32, #tpu.memory_space<hbm>>
    %dma_start3A_87 = arith.constant 0 : i32
    %dma_start3A_88 = tpu.memref_slice %arg4[%dma_start3A_82, %dma_start3A_87] : memref<2x32768xf32, #tpu.memory_space<vmem>> -> memref<1x32768xf32, #tpu.memory_space<vmem>>
    %dma_start3A_89 = tpu.memref_squeeze %dma_start3A_88 : memref<1x32768xf32, #tpu.memory_space<vmem>> -> memref<32768xf32, #tpu.memory_space<vmem>>
    %dma_start3A_90 = tpu.memref_slice %arg2[%add3A_81] : memref<16777216xf32, #tpu.memory_space<hbm>> -> memref<32768xf32, #tpu.memory_space<hbm>>
    tpu.enqueue_dma source(%dma_start3A_90 : memref<32768xf32, #tpu.memory_space<hbm>>) target(%dma_start3A_89 : memref<32768xf32, #tpu.memory_space<vmem>>) target_semaphore(%arg7 : memref<!tpu.dma_semaphore, #tpu.memory_space<semaphore_mem>>)
    %dma_wait3A_91 = arith.constant 0 : i32
    %dma_wait3A_92 = arith.constant 0 : i32
    %dma_wait3A_93 = tpu.memref_slice %arg4[%dma_wait3A_91, %dma_wait3A_92] : memref<2x32768xf32, #tpu.memory_space<vmem>> -> memref<1x32768xf32, #tpu.memory_space<vmem>>
    %dma_wait3A_94 = tpu.memref_squeeze %dma_wait3A_93 : memref<1x32768xf32, #tpu.memory_space<vmem>> -> memref<32768xf32, #tpu.memory_space<vmem>>
    %dma_wait3A_95 = tpu.memref_slice %arg2[%add3A_54] : memref<16777216xf32, #tpu.memory_space<hbm>> -> memref<32768xf32, #tpu.memory_space<hbm>>
    %dma_wait3A_96 = arith.constant 0 : i32
    %dma_wait3A_97 = tpu.memref_slice %arg4[%dma_wait3A_91, %dma_wait3A_96] : memref<2x32768xf32, #tpu.memory_space<vmem>> -> memref<1x32768xf32, #tpu.memory_space<vmem>>
    %dma_wait3A_98 = tpu.memref_squeeze %dma_wait3A_97 : memref<1x32768xf32, #tpu.memory_space<vmem>> -> memref<32768xf32, #tpu.memory_space<vmem>>
    %dma_wait3A_99 = tpu.memref_slice %arg2[%add3A_54] : memref<16777216xf32, #tpu.memory_space<hbm>> -> memref<32768xf32, #tpu.memory_space<hbm>>
    tpu.wait_dma2 semaphore(%arg6 : memref<!tpu.dma_semaphore, #tpu.memory_space<semaphore_mem>>) src(%dma_wait3A_99 : memref<32768xf32, #tpu.memory_space<hbm>>) dst(%dma_wait3A_98 : memref<32768xf32, #tpu.memory_space<vmem>>)
    %scan3A_100 = arith.constant 0 : i32
    %scan3A_101 = arith.constant 0 : i32
    %scan3A_102 = arith.constant 256 : i32
    %scan3A_103 = arith.addi %scan3A_101, %scan3A_102 : i32
    %scan3A_104 = arith.constant 1 : i32
    %scan3A_105:8 = scf.for %scan3A_165 = %scan3A_101 to %scan3A_103 step %scan3A_104 iter_args(%scan3A_166 = %scan3A_78#0, %scan3A_167 = %scan3A_78#1, %scan3A_168 = %scan3A_78#2, %scan3A_169 = %scan3A_78#3, %scan3A_170 = %scan3A_78#4, %scan3A_171 = %scan3A_78#5, %scan3A_172 = %scan3A_78#6, %scan3A_173 = %scan3A_78#7) -> (vector<16xf32>, vector<16xf32>, vector<16xf32>, vector<16xf32>, vector<16xf32>, vector<16xf32>, vector<16xf32>, vector<16xf32>)  : i32 {
      %mul3A_174 = arith.constant 128 : i32
      %mul3A_175 = arith.muli %scan3A_165, %mul3A_174 : i32
      %add3A_176 = arith.constant 0 : i32
      %add3A_177 = arith.addi %mul3A_175, %add3A_176 : i32
      %get3A = arith.constant 0 : i32
      %get3A_178 = tpu.memref_slice %arg4[%scan3A_100, %get3A] : memref<2x32768xf32, #tpu.memory_space<vmem>> -> memref<1x32768xf32, #tpu.memory_space<vmem>>
      %get3A_179 = tpu.memref_squeeze %get3A_178 : memref<1x32768xf32, #tpu.memory_space<vmem>> -> memref<32768xf32, #tpu.memory_space<vmem>>
      %get3A_180 = arith.index_cast %add3A_177 : i32 to index
      %get3A_181 = tpu.vector_load %get3A_179[%get3A_180] {strides = array<i32>} : memref<32768xf32, #tpu.memory_space<vmem>>, vector<16xf32>,
      %get3A_182 = vector.shape_cast %get3A_181 : vector<16xf32> to vector<16xf32>
      %add3A_183 = arith.addf %scan3A_166, %get3A_182 : vector<16xf32>
      %add3A_184 = arith.constant 16 : i32
      %add3A_185 = arith.addi %mul3A_175, %add3A_184 : i32
      %get3A_186 = arith.constant 0 : i32
      %get3A_187 = tpu.memref_slice %arg4[%scan3A_100, %get3A_186] : memref<2x32768xf32, #tpu.memory_space<vmem>> -> memref<1x32768xf32, #tpu.memory_space<vmem>>
      %get3A_188 = tpu.memref_squeeze %get3A_187 : memref<1x32768xf32, #tpu.memory_space<vmem>> -> memref<32768xf32, #tpu.memory_space<vmem>>
      %get3A_189 = arith.index_cast %add3A_185 : i32 to index
      %get3A_190 = tpu.vector_load %get3A_188[%get3A_189] {strides = array<i32>} : memref<32768xf32, #tpu.memory_space<vmem>>, vector<16xf32>,
      %get3A_191 = vector.shape_cast %get3A_190 : vector<16xf32> to vector<16xf32>
      %add3A_192 = arith.addf %scan3A_167, %get3A_191 : vector<16xf32>
      %add3A_193 = arith.constant 32 : i32
      %add3A_194 = arith.addi %mul3A_175, %add3A_193 : i32
      %get3A_195 = arith.constant 0 : i32
      %get3A_196 = tpu.memref_slice %arg4[%scan3A_100, %get3A_195] : memref<2x32768xf32, #tpu.memory_space<vmem>> -> memref<1x32768xf32, #tpu.memory_space<vmem>>
      %get3A_197 = tpu.memref_squeeze %get3A_196 : memref<1x32768xf32, #tpu.memory_space<vmem>> -> memref<32768xf32, #tpu.memory_space<vmem>>
      %get3A_198 = arith.index_cast %add3A_194 : i32 to index
      %get3A_199 = tpu.vector_load %get3A_197[%get3A_198] {strides = array<i32>} : memref<32768xf32, #tpu.memory_space<vmem>>, vector<16xf32>,
      %get3A_200 = vector.shape_cast %get3A_199 : vector<16xf32> to vector<16xf32>
      %add3A_201 = arith.addf %scan3A_168, %get3A_200 : vector<16xf32>
      %add3A_202 = arith.constant 48 : i32
      %add3A_203 = arith.addi %mul3A_175, %add3A_202 : i32
      %get3A_204 = arith.constant 0 : i32
      %get3A_205 = tpu.memref_slice %arg4[%scan3A_100, %get3A_204] : memref<2x32768xf32, #tpu.memory_space<vmem>> -> memref<1x32768xf32, #tpu.memory_space<vmem>>
      %get3A_206 = tpu.memref_squeeze %get3A_205 : memref<1x32768xf32, #tpu.memory_space<vmem>> -> memref<32768xf32, #tpu.memory_space<vmem>>
      %get3A_207 = arith.index_cast %add3A_203 : i32 to index
      %get3A_208 = tpu.vector_load %get3A_206[%get3A_207] {strides = array<i32>} : memref<32768xf32, #tpu.memory_space<vmem>>, vector<16xf32>,
      %get3A_209 = vector.shape_cast %get3A_208 : vector<16xf32> to vector<16xf32>
      %add3A_210 = arith.addf %scan3A_169, %get3A_209 : vector<16xf32>
      %add3A_211 = arith.constant 64 : i32
      %add3A_212 = arith.addi %mul3A_175, %add3A_211 : i32
      %get3A_213 = arith.constant 0 : i32
      %get3A_214 = tpu.memref_slice %arg4[%scan3A_100, %get3A_213] : memref<2x32768xf32, #tpu.memory_space<vmem>> -> memref<1x32768xf32, #tpu.memory_space<vmem>>
      %get3A_215 = tpu.memref_squeeze %get3A_214 : memref<1x32768xf32, #tpu.memory_space<vmem>> -> memref<32768xf32, #tpu.memory_space<vmem>>
      %get3A_216 = arith.index_cast %add3A_212 : i32 to index
      %get3A_217 = tpu.vector_load %get3A_215[%get3A_216] {strides = array<i32>} : memref<32768xf32, #tpu.memory_space<vmem>>, vector<16xf32>,
      %get3A_218 = vector.shape_cast %get3A_217 : vector<16xf32> to vector<16xf32>
      %add3A_219 = arith.addf %scan3A_170, %get3A_218 : vector<16xf32>
      %add3A_220 = arith.constant 80 : i32
      %add3A_221 = arith.addi %mul3A_175, %add3A_220 : i32
      %get3A_222 = arith.constant 0 : i32
      %get3A_223 = tpu.memref_slice %arg4[%scan3A_100, %get3A_222] : memref<2x32768xf32, #tpu.memory_space<vmem>> -> memref<1x32768xf32, #tpu.memory_space<vmem>>
      %get3A_224 = tpu.memref_squeeze %get3A_223 : memref<1x32768xf32, #tpu.memory_space<vmem>> -> memref<32768xf32, #tpu.memory_space<vmem>>
      %get3A_225 = arith.index_cast %add3A_221 : i32 to index
      %get3A_226 = tpu.vector_load %get3A_224[%get3A_225] {strides = array<i32>} : memref<32768xf32, #tpu.memory_space<vmem>>, vector<16xf32>,
      %get3A_227 = vector.shape_cast %get3A_226 : vector<16xf32> to vector<16xf32>
      %add3A_228 = arith.addf %scan3A_171, %get3A_227 : vector<16xf32>
      %add3A_229 = arith.constant 96 : i32
      %add3A_230 = arith.addi %mul3A_175, %add3A_229 : i32
      %get3A_231 = arith.constant 0 : i32
      %get3A_232 = tpu.memref_slice %arg4[%scan3A_100, %get3A_231] : memref<2x32768xf32, #tpu.memory_space<vmem>> -> memref<1x32768xf32, #tpu.memory_space<vmem>>
      %get3A_233 = tpu.memref_squeeze %get3A_232 : memref<1x32768xf32, #tpu.memory_space<vmem>> -> memref<32768xf32, #tpu.memory_space<vmem>>
      %get3A_234 = arith.index_cast %add3A_230 : i32 to index
      %get3A_235 = tpu.vector_load %get3A_233[%get3A_234] {strides = array<i32>} : memref<32768xf32, #tpu.memory_space<vmem>>, vector<16xf32>,
      %get3A_236 = vector.shape_cast %get3A_235 : vector<16xf32> to vector<16xf32>
      %add3A_237 = arith.addf %scan3A_172, %get3A_236 : vector<16xf32>
      %add3A_238 = arith.constant 112 : i32
      %add3A_239 = arith.addi %mul3A_175, %add3A_238 : i32
      %get3A_240 = arith.constant 0 : i32
      %get3A_241 = tpu.memref_slice %arg4[%scan3A_100, %get3A_240] : memref<2x32768xf32, #tpu.memory_space<vmem>> -> memref<1x32768xf32, #tpu.memory_space<vmem>>
      %get3A_242 = tpu.memref_squeeze %get3A_241 : memref<1x32768xf32, #tpu.memory_space<vmem>> -> memref<32768xf32, #tpu.memory_space<vmem>>
      %get3A_243 = arith.index_cast %add3A_239 : i32 to index
      %get3A_244 = tpu.vector_load %get3A_242[%get3A_243] {strides = array<i32>} : memref<32768xf32, #tpu.memory_space<vmem>>, vector<16xf32>,
      %get3A_245 = vector.shape_cast %get3A_244 : vector<16xf32> to vector<16xf32>
      %add3A_246 = arith.addf %scan3A_173, %get3A_245 : vector<16xf32>
      scf.yield %add3A_183, %add3A_192, %add3A_201, %add3A_210, %add3A_219, %add3A_228, %add3A_237, %add3A_246 : vector<16xf32>, vector<16xf32>, vector<16xf32>, vector<16xf32>, vector<16xf32>, vector<16xf32>, vector<16xf32>, vector<16xf32>
    }
    %scan3A_106 = arith.constant 256 : i32
    %dma_wait3A_107 = arith.constant 1 : i32
    %dma_wait3A_108 = arith.constant 0 : i32
    %dma_wait3A_109 = tpu.memref_slice %arg4[%dma_wait3A_107, %dma_wait3A_108] : memref<2x32768xf32, #tpu.memory_space<vmem>> -> memref<1x32768xf32, #tpu.memory_space<vmem>>
    %dma_wait3A_110 = tpu.memref_squeeze %dma_wait3A_109 : memref<1x32768xf32, #tpu.memory_space<vmem>> -> memref<32768xf32, #tpu.memory_space<vmem>>
    %dma_wait3A_111 = tpu.memref_slice %arg2[%add3A_81] : memref<16777216xf32, #tpu.memory_space<hbm>> -> memref<32768xf32, #tpu.memory_space<hbm>>
    %dma_wait3A_112 = arith.constant 0 : i32
    %dma_wait3A_113 = tpu.memref_slice %arg4[%dma_wait3A_107, %dma_wait3A_112] : memref<2x32768xf32, #tpu.memory_space<vmem>> -> memref<1x32768xf32, #tpu.memory_space<vmem>>
    %dma_wait3A_114 = tpu.memref_squeeze %dma_wait3A_113 : memref<1x32768xf32, #tpu.memory_space<vmem>> -> memref<32768xf32, #tpu.memory_space<vmem>>
    %dma_wait3A_115 = tpu.memref_slice %arg2[%add3A_81] : memref<16777216xf32, #tpu.memory_space<hbm>> -> memref<32768xf32, #tpu.memory_space<hbm>>
    tpu.wait_dma2 semaphore(%arg7 : memref<!tpu.dma_semaphore, #tpu.memory_space<semaphore_mem>>) src(%dma_wait3A_115 : memref<32768xf32, #tpu.memory_space<hbm>>) dst(%dma_wait3A_114 : memref<32768xf32, #tpu.memory_space<vmem>>)
    %scan3A_116 = arith.constant 1 : i32
    %scan3A_117 = arith.constant 0 : i32
    %scan3A_118 = arith.constant 256 : i32
    %scan3A_119 = arith.addi %scan3A_117, %scan3A_118 : i32
    %scan3A_120 = arith.constant 1 : i32
    %scan3A_121:8 = scf.for %scan3A_165 = %scan3A_117 to %scan3A_119 step %scan3A_120 iter_args(%scan3A_166 = %scan3A_105#0, %scan3A_167 = %scan3A_105#1, %scan3A_168 = %scan3A_105#2, %scan3A_169 = %scan3A_105#3, %scan3A_170 = %scan3A_105#4, %scan3A_171 = %scan3A_105#5, %scan3A_172 = %scan3A_105#6, %scan3A_173 = %scan3A_105#7) -> (vector<16xf32>, vector<16xf32>, vector<16xf32>, vector<16xf32>, vector<16xf32>, vector<16xf32>, vector<16xf32>, vector<16xf32>)  : i32 {
      %mul3A_174 = arith.constant 128 : i32
      %mul3A_175 = arith.muli %scan3A_165, %mul3A_174 : i32
      %add3A_176 = arith.constant 0 : i32
      %add3A_177 = arith.addi %mul3A_175, %add3A_176 : i32
      %get3A = arith.constant 0 : i32
      %get3A_178 = tpu.memref_slice %arg4[%scan3A_116, %get3A] : memref<2x32768xf32, #tpu.memory_space<vmem>> -> memref<1x32768xf32, #tpu.memory_space<vmem>>
      %get3A_179 = tpu.memref_squeeze %get3A_178 : memref<1x32768xf32, #tpu.memory_space<vmem>> -> memref<32768xf32, #tpu.memory_space<vmem>>
      %get3A_180 = arith.index_cast %add3A_177 : i32 to index
      %get3A_181 = tpu.vector_load %get3A_179[%get3A_180] {strides = array<i32>} : memref<32768xf32, #tpu.memory_space<vmem>>, vector<16xf32>,
      %get3A_182 = vector.shape_cast %get3A_181 : vector<16xf32> to vector<16xf32>
      %add3A_183 = arith.addf %scan3A_166, %get3A_182 : vector<16xf32>
      %add3A_184 = arith.constant 16 : i32
      %add3A_185 = arith.addi %mul3A_175, %add3A_184 : i32
      %get3A_186 = arith.constant 0 : i32
      %get3A_187 = tpu.memref_slice %arg4[%scan3A_116, %get3A_186] : memref<2x32768xf32, #tpu.memory_space<vmem>> -> memref<1x32768xf32, #tpu.memory_space<vmem>>
      %get3A_188 = tpu.memref_squeeze %get3A_187 : memref<1x32768xf32, #tpu.memory_space<vmem>> -> memref<32768xf32, #tpu.memory_space<vmem>>
      %get3A_189 = arith.index_cast %add3A_185 : i32 to index
      %get3A_190 = tpu.vector_load %get3A_188[%get3A_189] {strides = array<i32>} : memref<32768xf32, #tpu.memory_space<vmem>>, vector<16xf32>,
      %get3A_191 = vector.shape_cast %get3A_190 : vector<16xf32> to vector<16xf32>
      %add3A_192 = arith.addf %scan3A_167, %get3A_191 : vector<16xf32>
      %add3A_193 = arith.constant 32 : i32
      %add3A_194 = arith.addi %mul3A_175, %add3A_193 : i32
      %get3A_195 = arith.constant 0 : i32
      %get3A_196 = tpu.memref_slice %arg4[%scan3A_116, %get3A_195] : memref<2x32768xf32, #tpu.memory_space<vmem>> -> memref<1x32768xf32, #tpu.memory_space<vmem>>
      %get3A_197 = tpu.memref_squeeze %get3A_196 : memref<1x32768xf32, #tpu.memory_space<vmem>> -> memref<32768xf32, #tpu.memory_space<vmem>>
      %get3A_198 = arith.index_cast %add3A_194 : i32 to index
      %get3A_199 = tpu.vector_load %get3A_197[%get3A_198] {strides = array<i32>} : memref<32768xf32, #tpu.memory_space<vmem>>, vector<16xf32>,
      %get3A_200 = vector.shape_cast %get3A_199 : vector<16xf32> to vector<16xf32>
      %add3A_201 = arith.addf %scan3A_168, %get3A_200 : vector<16xf32>
      %add3A_202 = arith.constant 48 : i32
      %add3A_203 = arith.addi %mul3A_175, %add3A_202 : i32
      %get3A_204 = arith.constant 0 : i32
      %get3A_205 = tpu.memref_slice %arg4[%scan3A_116, %get3A_204] : memref<2x32768xf32, #tpu.memory_space<vmem>> -> memref<1x32768xf32, #tpu.memory_space<vmem>>
      %get3A_206 = tpu.memref_squeeze %get3A_205 : memref<1x32768xf32, #tpu.memory_space<vmem>> -> memref<32768xf32, #tpu.memory_space<vmem>>
      %get3A_207 = arith.index_cast %add3A_203 : i32 to index
      %get3A_208 = tpu.vector_load %get3A_206[%get3A_207] {strides = array<i32>} : memref<32768xf32, #tpu.memory_space<vmem>>, vector<16xf32>,
      %get3A_209 = vector.shape_cast %get3A_208 : vector<16xf32> to vector<16xf32>
      %add3A_210 = arith.addf %scan3A_169, %get3A_209 : vector<16xf32>
      %add3A_211 = arith.constant 64 : i32
      %add3A_212 = arith.addi %mul3A_175, %add3A_211 : i32
      %get3A_213 = arith.constant 0 : i32
      %get3A_214 = tpu.memref_slice %arg4[%scan3A_116, %get3A_213] : memref<2x32768xf32, #tpu.memory_space<vmem>> -> memref<1x32768xf32, #tpu.memory_space<vmem>>
      %get3A_215 = tpu.memref_squeeze %get3A_214 : memref<1x32768xf32, #tpu.memory_space<vmem>> -> memref<32768xf32, #tpu.memory_space<vmem>>
      %get3A_216 = arith.index_cast %add3A_212 : i32 to index
      %get3A_217 = tpu.vector_load %get3A_215[%get3A_216] {strides = array<i32>} : memref<32768xf32, #tpu.memory_space<vmem>>, vector<16xf32>,
      %get3A_218 = vector.shape_cast %get3A_217 : vector<16xf32> to vector<16xf32>
      %add3A_219 = arith.addf %scan3A_170, %get3A_218 : vector<16xf32>
      %add3A_220 = arith.constant 80 : i32
      %add3A_221 = arith.addi %mul3A_175, %add3A_220 : i32
      %get3A_222 = arith.constant 0 : i32
      %get3A_223 = tpu.memref_slice %arg4[%scan3A_116, %get3A_222] : memref<2x32768xf32, #tpu.memory_space<vmem>> -> memref<1x32768xf32, #tpu.memory_space<vmem>>
      %get3A_224 = tpu.memref_squeeze %get3A_223 : memref<1x32768xf32, #tpu.memory_space<vmem>> -> memref<32768xf32, #tpu.memory_space<vmem>>
      %get3A_225 = arith.index_cast %add3A_221 : i32 to index
      %get3A_226 = tpu.vector_load %get3A_224[%get3A_225] {strides = array<i32>} : memref<32768xf32, #tpu.memory_space<vmem>>, vector<16xf32>,
      %get3A_227 = vector.shape_cast %get3A_226 : vector<16xf32> to vector<16xf32>
      %add3A_228 = arith.addf %scan3A_171, %get3A_227 : vector<16xf32>
      %add3A_229 = arith.constant 96 : i32
      %add3A_230 = arith.addi %mul3A_175, %add3A_229 : i32
      %get3A_231 = arith.constant 0 : i32
      %get3A_232 = tpu.memref_slice %arg4[%scan3A_116, %get3A_231] : memref<2x32768xf32, #tpu.memory_space<vmem>> -> memref<1x32768xf32, #tpu.memory_space<vmem>>
      %get3A_233 = tpu.memref_squeeze %get3A_232 : memref<1x32768xf32, #tpu.memory_space<vmem>> -> memref<32768xf32, #tpu.memory_space<vmem>>
      %get3A_234 = arith.index_cast %add3A_230 : i32 to index
      %get3A_235 = tpu.vector_load %get3A_233[%get3A_234] {strides = array<i32>} : memref<32768xf32, #tpu.memory_space<vmem>>, vector<16xf32>,
      %get3A_236 = vector.shape_cast %get3A_235 : vector<16xf32> to vector<16xf32>
      %add3A_237 = arith.addf %scan3A_172, %get3A_236 : vector<16xf32>
      %add3A_238 = arith.constant 112 : i32
      %add3A_239 = arith.addi %mul3A_175, %add3A_238 : i32
      %get3A_240 = arith.constant 0 : i32
      %get3A_241 = tpu.memref_slice %arg4[%scan3A_116, %get3A_240] : memref<2x32768xf32, #tpu.memory_space<vmem>> -> memref<1x32768xf32, #tpu.memory_space<vmem>>
      %get3A_242 = tpu.memref_squeeze %get3A_241 : memref<1x32768xf32, #tpu.memory_space<vmem>> -> memref<32768xf32, #tpu.memory_space<vmem>>
      %get3A_243 = arith.index_cast %add3A_239 : i32 to index
      %get3A_244 = tpu.vector_load %get3A_242[%get3A_243] {strides = array<i32>} : memref<32768xf32, #tpu.memory_space<vmem>>, vector<16xf32>,
      %get3A_245 = vector.shape_cast %get3A_244 : vector<16xf32> to vector<16xf32>
      %add3A_246 = arith.addf %scan3A_173, %get3A_245 : vector<16xf32>
      scf.yield %add3A_183, %add3A_192, %add3A_201, %add3A_210, %add3A_219, %add3A_228, %add3A_237, %add3A_246 : vector<16xf32>, vector<16xf32>, vector<16xf32>, vector<16xf32>, vector<16xf32>, vector<16xf32>, vector<16xf32>, vector<16xf32>
    }
    %scan3A_122 = arith.constant 256 : i32
    %add3A_123 = arith.addf %scan3A_121#0, %scan3A_121#1 : vector<16xf32>
    %add3A_124 = arith.addf %add3A_123, %scan3A_121#2 : vector<16xf32>
    %add3A_125 = arith.addf %add3A_124, %scan3A_121#3 : vector<16xf32>
    %add3A_126 = arith.addf %add3A_125, %scan3A_121#4 : vector<16xf32>
    %add3A_127 = arith.addf %add3A_126, %scan3A_121#5 : vector<16xf32>
    %add3A_128 = arith.addf %add3A_127, %scan3A_121#6 : vector<16xf32>
    %add3A_129 = arith.addf %add3A_128, %scan3A_121#7 : vector<16xf32>
    %swap3A = arith.constant 0 : index
    %swap3A_130 = tpu.vector_load %arg5[%swap3A] {strides = array<i32>} : memref<16xf32, #tpu.memory_space<vmem>>, vector<16xf32>,
    %swap3A_131 = vector.shape_cast %swap3A_130 : vector<16xf32> to vector<16xf32>
    %swap3A_132 = vector.shape_cast %add3A_129 : vector<16xf32> to vector<16xf32>
    tpu.vector_store %arg5[%swap3A], %swap3A_132 {strides = array<i32>} : memref<16xf32, #tpu.memory_space<vmem>>, vector<16xf32>,
    %jit3A = arith.constant 8 : i32
    %div3A = arith.divsi %add3A, %jit3A : i32
    %sign3A = arith.constant 0 : i32
    %sign3A_133 = arith.cmpi sgt, %add3A, %sign3A : i32
    %sign3A_134 = arith.extui %sign3A_133 : i1 to i32
    %sign3A_135 = arith.constant 0 : i32
    %sign3A_136 = arith.cmpi slt, %add3A, %sign3A_135 : i32
    %sign3A_137 = arith.extui %sign3A_136 : i1 to i32
    %sign3A_138 = arith.subi %sign3A_134, %sign3A_137 : i32
    %sign3A_139 = arith.constant 0 : i32
    %sign3A_140 = arith.cmpi sgt, %jit3A, %sign3A_139 : i32
    %sign3A_141 = arith.extui %sign3A_140 : i1 to i32
    %sign3A_142 = arith.constant 0 : i32
    %sign3A_143 = arith.cmpi slt, %jit3A, %sign3A_142 : i32
    %sign3A_144 = arith.extui %sign3A_143 : i1 to i32
    %sign3A_145 = arith.subi %sign3A_141, %sign3A_144 : i32
    %ne3A = arith.cmpi ne, %sign3A_138, %sign3A_145 : i32
    %rem3A = arith.remsi %add3A, %jit3A : i32
    %ne3A_146 = arith.constant 0 : i32
    %ne3A_147 = arith.cmpi ne, %rem3A, %ne3A_146 : i32
    %and3A = arith.andi %ne3A, %ne3A_147 : i1
    %sub3A = arith.constant 1 : i32
    %sub3A_148 = arith.subi %div3A, %sub3A : i32
    %select_n3A = arith.select %and3A, %sub3A_148, %div3A : i32
    %jit3A_149 = arith.constant 8 : i32
    %eq3A = arith.constant 0 : i32
    %eq3A_150 = arith.cmpi eq, %jit3A_149, %eq3A : i32
    %jit3A_151 = arith.constant 1 : i32
    %select_n3A_152 = arith.select %eq3A_150, %jit3A_151, %jit3A_149 : i32
    %rem3A_153 = arith.remsi %add3A, %select_n3A_152 : i32
    %ne3A_154 = arith.constant 0 : i32
    %ne3A_155 = arith.cmpi ne, %rem3A_153, %ne3A_154 : i32
    %lt3A = arith.constant 0 : i32
    %lt3A_156 = arith.cmpi slt, %rem3A_153, %lt3A : i32
    %lt3A_157 = arith.constant 0 : i32
    %lt3A_158 = arith.cmpi slt, %select_n3A_152, %lt3A_157 : i32
    %ne3A_159 = arith.xori %lt3A_156, %lt3A_158 : i1
    %and3A_160 = arith.andi %ne3A_159, %ne3A_155 : i1
    %add3A_161 = arith.addi %rem3A_153, %select_n3A_152 : i32
    %select_n3A_162 = arith.select %and3A_160, %add3A_161, %rem3A_153 : i32
    %mul3A_163 = arith.constant 16 : i32
    %mul3A_164 = arith.muli %select_n3A_162, %mul3A_163 : i32
    "tpu.region"() ({
      %run_scoped3A = tpu.sem_alloc : memref<!tpu.dma_semaphore, #tpu.memory_space<semaphore_mem>>
      %dma_start3A_165 = tpu.memref_slice %arg3[%select_n3A, %mul3A_164] : memref<4x128xf32, #tpu.memory_space<hbm>> -> memref<1x16xf32, #tpu.memory_space<hbm>>
      %dma_start3A_166 = tpu.memref_squeeze %dma_start3A_165 : memref<1x16xf32, #tpu.memory_space<hbm>> -> memref<16xf32, #tpu.memory_space<hbm>>
      %dma_start3A_167 = tpu.memref_slice %arg3[%select_n3A, %mul3A_164] : memref<4x128xf32, #tpu.memory_space<hbm>> -> memref<1x16xf32, #tpu.memory_space<hbm>>
      %dma_start3A_168 = tpu.memref_squeeze %dma_start3A_167 : memref<1x16xf32, #tpu.memory_space<hbm>> -> memref<16xf32, #tpu.memory_space<hbm>>
      tpu.enqueue_dma source(%arg5 : memref<16xf32, #tpu.memory_space<vmem>>) target(%dma_start3A_168 : memref<16xf32, #tpu.memory_space<hbm>>) target_semaphore(%run_scoped3A : memref<!tpu.dma_semaphore, #tpu.memory_space<semaphore_mem>>)
      %dma_wait3A_169 = tpu.memref_slice %arg3[%select_n3A, %mul3A_164] : memref<4x128xf32, #tpu.memory_space<hbm>> -> memref<1x16xf32, #tpu.memory_space<hbm>>
      %dma_wait3A_170 = tpu.memref_squeeze %dma_wait3A_169 : memref<1x16xf32, #tpu.memory_space<hbm>> -> memref<16xf32, #tpu.memory_space<hbm>>
      %dma_wait3A_171 = tpu.memref_slice %arg3[%select_n3A, %mul3A_164] : memref<4x128xf32, #tpu.memory_space<hbm>> -> memref<1x16xf32, #tpu.memory_space<hbm>>
      %dma_wait3A_172 = tpu.memref_squeeze %dma_wait3A_171 : memref<1x16xf32, #tpu.memory_space<hbm>> -> memref<16xf32, #tpu.memory_space<hbm>>
      tpu.wait_dma2 semaphore(%run_scoped3A : memref<!tpu.dma_semaphore, #tpu.memory_space<semaphore_mem>>) src(%arg5 : memref<16xf32, #tpu.memory_space<vmem>>) dst(%dma_wait3A_172 : memref<16xf32, #tpu.memory_space<hbm>>)
      tpu.yield
    }) : () -> ()
    return
  }
}

module attributes {stable_mosaic.version = 14 : i64} {
  func.func @_tc_segsum_body(%arg0: i32, %arg1: memref<2097152xf32, #tpu.memory_space<vmem>>, %arg2: memref<4x128xf32, #tpu.memory_space<vmem>>) attributes {dimension_semantics = [#tpu.dimension_semantics<arbitrary>], iteration_bounds = array<i64: 6>, scalar_prefetch = 0 : i64, scratch_operands = 0 : i64, tpu.core_type = #tpu.core_type<tc>, window_params = [{transform_indices = @transform_0, window_bounds = array<i64: 2097152>}, {pipeline_mode = #tpu.pipeline_mode<synchronous>, transform_indices = @transform_1, window_bounds = array<i64: 4, 128>}]} {
    %eq3A = arith.constant 0 : i32
    %eq3A_0 = arith.cmpi eq, %arg0, %eq3A : i32
    %convert_element_type3A = arith.extui %eq3A_0 : i1 to i32
    %cond3A = arith.constant 0 : i32
    %cond3A_1 = arith.cmpi ne, %convert_element_type3A, %cond3A : i32
    scf.if %cond3A_1 {
      %broadcast_in_dim3A_32 = arith.constant 0.000000e+00 : f32
      %broadcast_in_dim3A_33 = vector.broadcast %broadcast_in_dim3A_32 : f32 to vector<4x128xf32>
      %swap3A_34 = arith.constant 0 : index
      %swap3A_35 = arith.constant 0 : index
      %swap3A_36 = vector.load %arg2[%swap3A_34, %swap3A_35] : memref<4x128xf32, #tpu.memory_space<vmem>>, vector<4x128xf32>
      tpu.vector_store %arg2[%swap3A_34, %swap3A_35], %broadcast_in_dim3A_33 {strides = array<i32>} : memref<4x128xf32, #tpu.memory_space<vmem>>, vector<4x128xf32>,
    } else {
    }
    %get3A = arith.constant 0 : index
    %get3A_2 = vector.load %arg1[%get3A] : memref<2097152xf32, #tpu.memory_space<vmem>>, vector<2097152xf32>
    %reshape3A = vector.shape_cast %get3A_2 : vector<2097152xf32> to vector<16384x128xf32>
    %reduce_sum3A = arith.constant dense<0.000000e+00> : vector<128xf32>
    %reduce_sum3A_3 = vector.multi_reduction <add>, %reshape3A, %reduce_sum3A [0] : vector<16384x128xf32> to vector<128xf32>
    %broadcast_in_dim3A = vector.shape_cast %reduce_sum3A_3 : vector<128xf32> to vector<1x128xf32>
    %jit3A = arith.constant 2 : i32
    %div3A = arith.divsi %arg0, %jit3A : i32
    %sign3A = arith.constant 0 : i32
    %sign3A_4 = arith.cmpi sgt, %arg0, %sign3A : i32
    %sign3A_5 = arith.extui %sign3A_4 : i1 to i32
    %sign3A_6 = arith.constant 0 : i32
    %sign3A_7 = arith.cmpi slt, %arg0, %sign3A_6 : i32
    %sign3A_8 = arith.extui %sign3A_7 : i1 to i32
    %sign3A_9 = arith.subi %sign3A_5, %sign3A_8 : i32
    %sign3A_10 = arith.constant 0 : i32
    %sign3A_11 = arith.cmpi sgt, %jit3A, %sign3A_10 : i32
    %sign3A_12 = arith.extui %sign3A_11 : i1 to i32
    %sign3A_13 = arith.constant 0 : i32
    %sign3A_14 = arith.cmpi slt, %jit3A, %sign3A_13 : i32
    %sign3A_15 = arith.extui %sign3A_14 : i1 to i32
    %sign3A_16 = arith.subi %sign3A_12, %sign3A_15 : i32
    %ne3A = arith.cmpi ne, %sign3A_9, %sign3A_16 : i32
    %rem3A = arith.remsi %arg0, %jit3A : i32
    %ne3A_17 = arith.constant 0 : i32
    %ne3A_18 = arith.cmpi ne, %rem3A, %ne3A_17 : i32
    %and3A = arith.andi %ne3A, %ne3A_18 : i1
    %sub3A = arith.constant 1 : i32
    %sub3A_19 = arith.subi %div3A, %sub3A : i32
    %select_n3A = arith.select %and3A, %sub3A_19, %div3A : i32
    %iota3A = tpu.iota {dimensions = array<i32: 0>} : vector<4x128xi32>
    %get3A_20 = arith.constant 0 : index
    %get3A_21 = arith.constant 0 : index
    %get3A_22 = vector.load %arg2[%get3A_20, %get3A_21] : memref<4x128xf32, #tpu.memory_space<vmem>>, vector<4x128xf32>
    %eq3A_23 = vector.broadcast %select_n3A : i32 to vector<4x128xi32>
    %eq3A_24 = arith.cmpi eq, %iota3A, %eq3A_23 : vector<4x128xi32>
    %jit3A_25 = arith.constant 0.000000e+00 : f32
    %broadcast_in_dim3A_26 = vector.shape_cast %broadcast_in_dim3A : vector<1x128xf32> to vector<1x128xf32>
    %broadcast_in_dim3A_27 = vector.broadcast %broadcast_in_dim3A_26 : vector<1x128xf32> to vector<4x128xf32>
    %broadcast_in_dim3A_28 = vector.broadcast %jit3A_25 : f32 to vector<4x128xf32>
    %select_n3A_29 = arith.select %eq3A_24, %broadcast_in_dim3A_27, %broadcast_in_dim3A_28 : vector<4x128xi1>, vector<4x128xf32>
    %add3A = arith.addf %get3A_22, %select_n3A_29 : vector<4x128xf32>
    %swap3A = arith.constant 0 : index
    %swap3A_30 = arith.constant 0 : index
    %swap3A_31 = vector.load %arg2[%swap3A, %swap3A_30] : memref<4x128xf32, #tpu.memory_space<vmem>>, vector<4x128xf32>
    tpu.vector_store %arg2[%swap3A, %swap3A_30], %add3A {strides = array<i32>} : memref<4x128xf32, #tpu.memory_space<vmem>>, vector<4x128xf32>,
    return
  }
  func.func @transform_0(%arg0: i32) -> i32 {
    %c0_i32 = arith.constant 0 : i32
    return %arg0 : i32
  }
  func.func @transform_1(%arg0: i32) -> (i32, i32) {
    %c0_i32 = arith.constant 0 : i32
    %c0_i32_0 = arith.constant 0 : i32
    %c0_i32_1 = arith.constant 0 : i32
    return %c0_i32, %c0_i32_0 : i32, i32
  }
}

module attributes {stable_mosaic.version = 14 : i64} {
  func.func @_combine_body(%arg0: memref<4x128xf32, #tpu.memory_space<vmem>>, %arg1: memref<4x128xf32, #tpu.memory_space<vmem>>, %arg2: memref<4xf32, #tpu.memory_space<vmem>>) attributes {dimension_semantics = [], scalar_prefetch = 0 : i64, scratch_operands = 0 : i64, tpu.core_type = #tpu.core_type<tc>} {
    %get3A = arith.constant 0 : index
    %get3A_0 = arith.constant 0 : index
    %get3A_1 = vector.load %arg0[%get3A, %get3A_0] : memref<4x128xf32, #tpu.memory_space<vmem>>, vector<4x128xf32>
    %reduce_sum3A = arith.constant dense<0.000000e+00> : vector<4xf32>
    %reduce_sum3A_2 = vector.multi_reduction <add>, %get3A_1, %reduce_sum3A [1] : vector<4x128xf32> to vector<4xf32>
    %get3A_3 = arith.constant 0 : index
    %get3A_4 = arith.constant 0 : index
    %get3A_5 = vector.load %arg1[%get3A_3, %get3A_4] : memref<4x128xf32, #tpu.memory_space<vmem>>, vector<4x128xf32>
    %reduce_sum3A_6 = vector.shape_cast %get3A_5 : vector<4x128xf32> to vector<1x4x128xf32>
    %reduce_sum3A_7 = arith.constant dense<0.000000e+00> : vector<1xf32>
    %reduce_sum3A_8 = vector.multi_reduction <add>, %reduce_sum3A_6, %reduce_sum3A_7 [1, 2] : vector<1x4x128xf32> to vector<1xf32>
    %reduce_sum3A_9 = vector.shape_cast %reduce_sum3A_8 : vector<1xf32> to vector<1x1x1xf32>
    %reduce_sum3A_10 = vector.extract %reduce_sum3A_9[0, 0, 0] : f32 from vector<1x1x1xf32>
    %iota3A = tpu.iota {dimensions = array<i32: 1>} : vector<1x4xi32>
    %iota3A_11 = vector.shape_cast %iota3A : vector<1x4xi32> to vector<4xi32>
    %eq3A = arith.constant 3 : i32
    %eq3A_12 = vector.broadcast %eq3A : i32 to vector<4xi32>
    %eq3A_13 = arith.cmpi eq, %iota3A_11, %eq3A_12 : vector<4xi32>
    %jit3A = arith.constant 0.000000e+00 : f32
    %broadcast_in_dim3A = vector.broadcast %reduce_sum3A_10 : f32 to vector<4xf32>
    %broadcast_in_dim3A_14 = vector.broadcast %jit3A : f32 to vector<4xf32>
    %select_n3A = arith.select %eq3A_13, %broadcast_in_dim3A, %broadcast_in_dim3A_14 : vector<4xi1>, vector<4xf32>
    %add3A = arith.addf %reduce_sum3A_2, %select_n3A : vector<4xf32>
    %reduce_max3A = vector.shape_cast %add3A : vector<4xf32> to vector<1x4xf32>
    %reduce_max3A_15 = arith.constant dense<0xFF800000> : vector<1xf32>
    %reduce_max3A_16 = vector.multi_reduction <maximumf>, %reduce_max3A, %reduce_max3A_15 [1] : vector<1x4xf32> to vector<1xf32>
    %reduce_max3A_17 = vector.shape_cast %reduce_max3A_16 : vector<1xf32> to vector<1x1xf32>
    %reduce_max3A_18 = vector.extract %reduce_max3A_17[0, 0] : f32 from vector<1x1xf32>
    %sub3A = vector.broadcast %reduce_max3A_18 : f32 to vector<4xf32>
    %sub3A_19 = arith.subf %add3A, %sub3A : vector<4xf32>
    %exp3A = math.exp %sub3A_19 : vector<4xf32>
    %reduce_sum3A_20 = vector.shape_cast %exp3A : vector<4xf32> to vector<1x4xf32>
    %reduce_sum3A_21 = arith.constant dense<0.000000e+00> : vector<1xf32>
    %reduce_sum3A_22 = vector.multi_reduction <add>, %reduce_sum3A_20, %reduce_sum3A_21 [1] : vector<1x4xf32> to vector<1xf32>
    %reduce_sum3A_23 = vector.shape_cast %reduce_sum3A_22 : vector<1xf32> to vector<1x1xf32>
    %reduce_sum3A_24 = vector.extract %reduce_sum3A_23[0, 0] : f32 from vector<1x1xf32>
    %div3A = vector.broadcast %reduce_sum3A_24 : f32 to vector<4xf32>
    %div3A_25 = arith.divf %exp3A, %div3A : vector<4xf32>
    %swap3A = arith.constant 0 : index
    %swap3A_26 = vector.load %arg2[%swap3A] : memref<4xf32, #tpu.memory_space<vmem>>, vector<4xf32>
    tpu.vector_store %arg2[%swap3A], %div3A_25 {strides = array<i32>} : memref<4xf32, #tpu.memory_space<vmem>>, vector<4xf32>,
    return
  }
}

</mosaic_0001>

<sc_bundles>
// kernel: kernel.5.cloned.1.call-start
scs
__scs_entry_jumppad:
0x0: {  	(pc) =	sbr.rel $0x88, $3  }
0x1: {  	(tag) =	ssettag $0x0;
	lr =	simm.s32 $0x1  }
0x2: {  	[smem:$0x3FA0] =	sst lr;
	_ =	strace $0xD0000000  }
0x3: {  	_ = 	snop  }
0x4: {  	_ = 	snop  }
0x5: {  	_ = 	snop  }
0x6: {  	_ = 	snop  }
0x7: {  	_ = 	snop  }
__scs_overlays_trampoline_lowered:
0x8: {  	[smem:$0x3FAF] =	sst s0  }
0x9: {  	[smem:$0x3FB0] =	sst s1  }
0xa: {  	[smem:$0x3FB1] =	sst s2  }
0xb: {  	[smem:$0x3FB2] =	sst s3  }
0xc: {  	[smem:$0x3FB3] =	sst s4  }
0xd: {  	[smem:$0x3FB4] =	sst s5  }
0xe: {  	[smem:$0x3FB5] =	sst s6  }
0xf: {  	[smem:$0x3FB6] =	sst s7  }
0x10: {  	[smem:$0x3FB7] =	sst s8  }
0x11: {  	[smem:$0x3FB8] =	sst s9;
	s0 =	simm.s32 @!p0 $0x0  }
0x12: {  	s1 =	sld [smem:$0x3F9E];
	s0 =	simm.s32 @p0 $0x1  }
0x13: {  	[smem:$0x3FB9] =	sst s0;
	s0 =	simm.s32 @!p1 $0x0  }
0x14: {  	s2 =	sld [smem:$0x3F9D];
	s0 =	simm.s32 @p1 $0x1  }
0x15: {  	[smem:$0x3FBA] =	sst s0;
	s0 =	simm.s32 @!p2 $0x0  }
0x16: {  	s3 =	sld [smem:$0x3FDB];
	s0 =	simm.s32 @p2 $0x1  }
0x17: {  	s4 =	simm.s32 $0x1BF5;
	[smem:$0x3FBC] =	sst s0  }
0x18: {  	s0 =	sld [smem:$0x3F9F];
	_ =	swait.ge [sflag:s4], $0x0  }
0x19: {  	s7 =	sld [smem:$0x3FA0]  }
0x1a: {  	s8 =	sadd.s32 $0xFFFFE003, lr  }
0x1b: {  	s9 =	sadd.s32 $0xFFFFFEF7, lr;
	s5 =	simm.s32 $0xFFFFFFFF;
	p2 =	slt.u32 s8, $0xFFFFF086  }
0x1c: {  	p1 =	slt.u32 s9, $0xF7A;
	s5 =	simm.s32 @!p2 $0x0  }
0x1d: {  	s5 =	simm.s32 @p1 $0x1;
	p0 =	seq.s32 s7, s2  }
0x1e: {  	s7 =	smul.u32 @!p0 $0xF7A, s2;
	p2 =	seq.s32 @!p0 s5, $0x0  }
0x1f: {  	s9 =	smul.u32 $0xF7A, s1;
	s8 =	simm.s32 @!p0 $0x1BF5;
	p2 =	por !p2, p0  }
0x20: {  	[sflag:s8] =	ssyncset.s32 @!p0 $0xFFFFF086;
	s6 =	sadd.s32 @!p0 s3, s7;
	s7 =	simm.s32 @!p0 $0x108  }
0x21: {  	s3 =	sadd.s32 s3, s9;
	s6 =	sadd.s32 @!p0 $0x88, s6;
	s7 =	simm.s32 @p2 $0x1082  }
0x22: {  	[simem:s7], [sflag:s8] =	dma.local @!p0 [hbm:s6], $0xF7A  }
0x23: {  	s9 =	sor.u32 $0xD0000000, s2;
	s6 =	simm.s32 $0x108;
	_ =	swait.ge @!p0 [sflag:s8], $0x0  }
0x24: {  	s3 =	sadd.s32 $0x88, s3;
	s6 =	simm.s32 @!p1 $0x1082;
	[sflag:s4] =	ssyncset.s32 $0xFFFFF086  }
0x25: {  	[simem:s6], [sflag:s4] =	dma.local [hbm:s3], $0xF7A  }
0x26: {  	[smem:$0x3FA0] =	sst s1;
	(tag) =	ssettag s2;
	_ =	strace s9  }
0x27: {  	s1 =	sld [smem:$0x3FB0]  }
0x28: {  	s2 =	sld [smem:$0x3FB1]  }
0x29: {  	s4 =	sld [smem:$0x3FB3]  }
0x2a: {  	p0 =	seq.s32 s5, $0x0;
	s5 =	sld [smem:$0x3FB4]  }
0x2b: {  	s6 =	sld [smem:$0x3FB5]  }
0x2c: {  	s7 =	sld [smem:$0x3FB6]  }
0x2d: {  	s3 =	simm.s32 $0x108;
	s8 =	sld [smem:$0x3FB7]  }
0x2e: {  	s3 =	simm.s32 @!p0 $0x1082;
	s9 =	sld [smem:$0x3FB8]  }
0x2f: {  	lr =	sadd.s32 s0, s3;
	s0 =	sld [smem:$0x3FAF]  }
0x30: {  	s3 =	sld [smem:$0x3FB2]  }
0x31: {  	[smem:$0x3FBB] =	sst s10  }
0x32: {  	s10 =	sld [smem:$0x3FB9];
	_ =	sdelay $0x3  }
0x33: {  	p0 =	seq.s32 s10, $0x1;
	s10 =	sld [smem:$0x3FBB];
	_ =	sdelay $0x3  }
0x34: {  	[smem:$0x3FBB] =	sst s10  }
0x35: {  	s10 =	sld [smem:$0x3FBA];
	_ =	sdelay $0x3  }
0x36: {  	p1 =	seq.s32 s10, $0x1;
	s10 =	sld [smem:$0x3FBB];
	_ =	sdelay $0x3  }
0x37: {  	[smem:$0x3FBB] =	sst s10  }
0x38: {  	s10 =	sld [smem:$0x3FBC]  }
0x39: {  	_ = 	snop;
	(pc) =	sbr.ind lr, $3  }
0x3a: {  	_ = 	snop  }
0x3b: {  	_ = 	snop  }
0x3c: {  	p2 =	seq.s32 s10, $0x1;
	s10 =	sld [smem:$0x3FBB]  }
0x3d: {  	_ =	shalt  }
0x3e: {  	_ =	shalt  }
0x3f: {  	_ =	shalt  }
0x40: {  	_ =	shalt  }
0x41: {  	_ =	shalt  }
0x42: {  	_ =	shalt  }
0x43: {  	_ =	shalt  }
0x44: {  	_ =	shalt  }
0x45: {  	_ =	shalt  }
0x46: {  	_ =	shalt  }
0x47: {  	_ =	shalt  }
0x48: {  	_ =	shalt  }
0x49: {  	_ =	shalt  }
0x4a: {  	_ =	shalt  }
0x4b: {  	_ =	shalt  }
0x4c: {  	_ =	shalt  }
0x4d: {  	_ =	shalt  }
0x4e: {  	_ =	shalt  }
0x4f: {  	_ =	shalt  }
0x50: {  	_ =	shalt  }
0x51: {  	_ =	shalt  }
0x52: {  	_ =	shalt  }
0x53: {  	_ =	shalt  }
0x54: {  	_ =	shalt  }
0x55: {  	_ =	shalt  }
0x56: {  	_ =	shalt  }
0x57: {  	_ =	shalt  }
0x58: {  	_ =	shalt  }
0x59: {  	_ =	shalt  }
0x5a: {  	_ =	shalt  }
0x5b: {  	_ =	shalt  }
0x5c: {  	_ =	shalt  }
0x5d: {  	_ =	shalt  }
0x5e: {  	_ =	shalt  }
0x5f: {  	_ =	shalt  }
0x60: {  	_ =	shalt  }
0x61: {  	_ =	shalt  }
0x62: {  	_ =	shalt  }
0x63: {  	_ =	shalt  }
0x64: {  	_ =	shalt  }
0x65: {  	_ =	shalt  }
0x66: {  	_ =	shalt  }
0x67: {  	_ =	shalt  }
0x68: {  	_ =	shalt  }
0x69: {  	_ =	shalt  }
0x6a: {  	_ =	shalt  }
0x6b: {  	_ =	shalt  }
0x6c: {  	_ =	shalt  }
0x6d: {  	_ =	shalt  }
0x6e: {  	_ =	shalt  }
0x6f: {  	_ =	shalt  }
0x70: {  	_ =	shalt  }
0x71: {  	_ =	shalt  }
0x72: {  	_ =	shalt  }
0x73: {  	_ =	shalt  }
0x74: {  	_ =	shalt  }
0x75: {  	_ =	shalt  }
0x76: {  	_ =	shalt  }
0x77: {  	_ =	shalt  }
0x78: {  	_ =	shalt  }
0x79: {  	_ =	shalt  }
0x7a: {  	_ =	shalt  }
0x7b: {  	_ =	shalt  }
0x7c: {  	_ =	shalt  }
0x7d: {  	_ =	shalt  }
0x7e: {  	_ =	shalt  }
0x7f: {  	_ =	shalt  }
0x80: {  	_ =	shalt  }
0x81: {  	_ =	shalt  }
0x82: {  	_ =	shalt  }
0x83: {  	_ =	shalt  }
0x84: {  	_ =	shalt  }
0x85: {  	_ =	shalt  }
0x86: {  	_ =	shalt  }
0x87: {  	_ =	shalt  }
.Lfunc_end0:
.L_simem_size_0:
called_computation_lowered:
.L_overlay_start_0:
0x88: {  	s2 =	sld [smem:$0x3FD9]  }
0x89: {  	s3 =	sld [smem:$0x3FFE];
	_ =	sdelay $0x1  }
0x8a: {  	s1 =	srdreg.scid  }
0x8b: {  	s0 =	sand.u32 $0x1, s1  }
0x8c: {  	s17 =	sshll.u32 s0, $0xA;
	s2 =	sadd.s32 s3, s2  }
0x8d: {  	s2 =	sadd.s32 s2, s17  }
0x8e: {  	[smem:$0x3FC7] =	sst s2  }
0x8f: {  	_ = 	snop  }
0x90: {  	s2 =	sld [smem:$0x3FC9];
	(tm) =	ssettm $0x1  }
0x91: {  	s18 =	sld [smem:$0x3FFB];
	_ =	sdelay $0x3  }
0x92: {  	_ =	strace s18  }
0x93: {  	s3 =	sld [smem:$0x3FFC];
	_ =	sdelay $0x3  }
0x94: {  	_ =	strace s3  }
0x95: {  	s3 =	sld [smem:$0x3FFD];
	_ =	sdelay $0x3  }
0x96: {  	_ =	strace s3  }
0x97: {  	_ =	strace $0x8FFFFFFF  }
0x98: {  	s19 =	sld [smem:$0x3FDB];
	_ =	sdelay $0x1  }
0x99: {  	s4 =	simm.s32 $_scs_section_size  }
0x9a: {  	s5 =	simm.s32 $_size__tile_overlayer_lowered;
	s6 =	simm.s32 $_tile_overlayer_lowered  }
0x9b: {  	s22 =	simm.s32 $0x1BFF;
	s21 =	sshll.u32 s6, $0x1;
	s3 =	sadd.s32 s4, s19  }
0x9c: {  	s7 =	simm.s32 $0x0;
	s20 =	sshll.u32 s5, $0x1;
	s5 =	sadd.s32 s21, s3  }
0x9d: {  	[timem:s7], [sflag:s22] =	dma.local [hbm:s5], s20  }
0x9e: {  	_ =	swait.ge [sflag:s22], s20  }
0x9f: {  	s4 =	ssub.s32 $0x0, s20;
	[sflag:s22] =	ssyncset.done $0x0  }
0xa0: {  	[sflag:s22] =	ssyncadd.s32 s4;
	_ =	sdelay $0x1  }
0xa1: {  	s23 =	simm.s32 $0x1B8B  }
0xa2: {  	_ =	swait.ge [sflag:s23], $0x1  }
0xa3: {  	[sflag:s23] =	ssyncset.done $0x0  }
0xa4: {  	s25 =	simm.s32 $0x1B8E;
	s24 =	sld [smem:$0x3FFE];
	[sflag:s23] =	ssyncadd.s32 $0xFFFFFFFF  }
0xa5: {  	s26 =	simm.s32 $execute0_lowered;
	[smem:$0x3FD2] =	sst s25  }
0xa6: {  	s5 =	sshll.u32 s26, $0x1;
	_ =	strace $0x80000046;
	[dreg:$0x1] =	wrdreg $0xFFFFFFFF  }
0xa7: {  	s28 =	simm.s32 $_size_execute0_lowered;
	s3 =	sadd.s32 s3, s5;
	[dreg:$0x0] =	wrdreg $0x0  }
0xa8: {  	s5 =	sshll.u32 s28, $0x1;
	[dreg:$0x2] =	wrdreg s3  }
0xa9: {  	[dreg:$0x3] =	wrdreg s5  }
0xaa: {  	[dreg:$0x4] =	wrdreg $0xC0  }
0xab: {  	_ =	task [dreg:s7], $0x5FFFF  }
0xac: {  	[dreg:$0x1] =	wrdreg $0xFFFFFFFF  }
0xad: {  	[dreg:$0x0] =	wrdreg $0x60  }
0xae: {  	[dreg:$0x2] =	wrdreg s2  }
0xaf: {  	[dreg:$0x3] =	wrdreg s24  }
0xb0: {  	[dreg:$0x4] =	wrdreg $0x9  }
0xb1: {  	_ =	task.clear_ibuf [dreg:s7], $0x5FFFF;
	_ =	strace $0x90000046  }
0xb2: {  	s29 =	simm.s32 $0x9;
	_ =	strace $0x80000048  }
0xb3: {  	_ =	swait.ge [sflag:s29], $0x1  }
0xb4: {  	[sflag:s29] =	ssyncadd.s32 $0xFFFFFFFF  }
0xb5: {  	_ =	strace $0x90000048  }
0xb6: {  	_ =	sfence  }
0xb7: {  	s30 =	sld [smem:$0x0];
	_ =	sdelay $0x2  }
0xb8: {  	s31 =	sshll.u32 s1, $0xD;
	s1 =	sshrl.u32 s1, $0x2  }
0xb9: {  	s3 =	sand.u32 $0x4000, s31;
	s1 =	sadd.s32 s1, s30  }
0xba: {  	s0 =	sor.u32 s3, s0;
	s1 =	sshll.u32 s1, $0x11  }
0xbb: {  	s0 =	sor.u32 s1, s0  }
0xbc: {  	s0 =	sadd.s32 $0x8F2B, s0  }
0xbd: {  	[sflag:s0] =	ssyncadd.remote.s32 $0x1  }
0xbe: {  	_ =	sfence.sel $0xFFFF  }
0xbf: {  	[dreg:$0x0] =	wrdreg $0xFFFFFFFF;
	(pc) =	sbr.abs _section_cstart, $3  }
0xc0: {  	[dreg:$0x1] =	wrdreg $0xFFFFFFFF  }
0xc1: {  	_ =	task.clear_ibuf [dreg:s7], $0x2FFFF;
	_ =	strace $0x9FFFFFFF  }
0xc2: {  	(tm) =	ssettm $0x7FFFFFFF  }
0xc3: {  	_ =	shalt  }
tec
execute0_lowered:
.L_overlay_start_1:
0x0: {  	(tag) =	ssettag $0x1  }
0x1: {  	s0 =	srdreg.scid;
	s5 =	rddreg [dreg:$0x0]  }
0x2: {  	s8 =	rddreg [dreg:$0x1];
	s2 =	simm.s32 $0x0;
	s4 =	sand.u32 $0x1, s0  }
0x3: {  	s3 =	simm.s32 $0x1;
	s0 =	stileid.u32;
	s1 =	sshll.u32 s4, $0x4  }
0x4: {  	s11 =	simm.s32 $0x10000;
	s7 =	sand.u32 $0x7, s0;
	s6 =	sor.u32 s0, s1  }
0x5: {  	s12 =	simm.s32 $0x3;
	p1 =	sne.s32 s7, $0x0;
	p0 =	seq.s32 s6, $0x0  }
0x6: {  	s13 =	simm.s32 $0x0;
	[smem:$0x7FF] =	sst s2;
	p0 =	por !p1, !p0  }
0x7: {  	s4 =	ssub.s32 $0x2, s4;
	s1 =	rddreg [dreg:$0x2];
	p0 =	por !p0, !p0  }
0x8: {  	_ =	strace $0x80000047;
	s9 =	sshrl.u32 s6, $0x3;
	s3 =	simm.s32 @!p0 $0x0  }
0x9: {  	s7 =	sshll.u32 s7, $0x4;
	s6 =	sshll.u32 s6, $0xE;
	s9 =	ssub.s32 s9, s3  }
0xa: {  	s31 =	sshrl.u32 s4, $0x1;
	s10 =	sadd.s32 s6, s5;
	s9 =	sshll.u32 s9, $0x7  }
0xb: {  	s5 =	sadd.s32 $0x181000, s10;
	s6 =	sadd.s32 $0x182000, s10;
	s7 =	sor.u32 s7, s9  }
0xc: {  	s3 =	simm.s32 $0x1;
	s9 =	ssub.s32 s4, s31;
	s7 =	sshrl.u32 s7, $0x3  }
0xd: {  	s4 =	sadd.s32 $0x180000, s10;
	s9 =	smax.u32 s9, $0x1;
	s8 =	sadd.s32 s7, s8  }
0xe: {  	s7 =	sadd.s32 $0x183000, s10;
	s10 =	simm.s32 $0x2;
	s8 =	sadd.s32 $0x600, s8  }
.LBB2_1:
0xf: {  	s14 =	simm.s32 $0x10  }
0x10: {  	s17 =	sadd.s32 $0x0, s4;
	s15 =	simm.s32 $0x100;
	s16 =	simm.s32 $0x0  }
.LBB2_2:
0x11: {  	[tilespmem:s16], [sflag:$0x1] =	stream.linear.gather [hbm4b:s17+s2], $0x80, $0x38;
	[tilespmem:$0x10080] =	vst v63  }
0x12: {  	s17 =	smov.u32 s14;
	s16 =	smov.u32 s15;
	p0 =	sne.s32 s14, $0xFF0  }
.Ltmp0:
0x13: {  	s14 =	sadd.s32 $0x10, s14;
	(pc) =	sbr.rel @p0 .LBB2_2-.Ltmp0, $2  }
0x14: {  	_ =	sdelay $0x2  }
0x15: {  	s15 =	sadd.s32 $0x100, s15;
	s17 =	sadd.s32 s17, s4  }
0x16: {  	[tilespmem:s16], [sflag:$0x1] =	stream.linear.gather [hbm4b:s17+s2], $0x80, $0x38;
	[tilespmem:$0x10080] =	vst v63  }
0x17: {  	s14 =	simm.s32 $0x80  }
0x18: {  	s15 =	simm.s32 $0x10;
	s17 =	sadd.s32 $0x0, s5;
	s16 =	simm.s32 $0x180  }
.LBB2_4:
0x19: {  	[tilespmem:s14], [sflag:$0x2] =	stream.linear.gather [hbm4b:s17+s2], $0x80, $0x38;
	[tilespmem:$0x10080] =	vst v63  }
0x1a: {  	s17 =	smov.u32 s15;
	s14 =	smov.u32 s16;
	p0 =	sne.s32 s15, $0xFF0  }
.Ltmp1:
0x1b: {  	s15 =	sadd.s32 $0x10, s15;
	(pc) =	sbr.rel @p0 .LBB2_4-.Ltmp1, $2  }
0x1c: {  	_ =	sdelay $0x2  }
0x1d: {  	s16 =	sadd.s32 $0x100, s16;
	s17 =	sadd.s32 s17, s5  }
0x1e: {  	[tilespmem:s14], [sflag:$0x2] =	stream.linear.gather [hbm4b:s17+s2], $0x80, $0x38;
	[tilespmem:$0x10080] =	vst v63  }
0x1f: {  	_ =	swait.ge [sflag:s3], $0x8000  }
0x20: {  	[sflag:s3] =	ssyncset.done $0x0  }
0x21: {  	s16 =	simm.s32 $0x0;
	[sflag:s3] =	ssyncadd.s32 $0xFFFF8000  }
0x22: {  	v0 =	vld [tilespmem:s16+$0x70]  }
0x23: {  	v1 =	vld [tilespmem:s16+$0x0]  }
0x24: {  	v2 =	vld [tilespmem:s16+$0x10]  }
0x25: {  	v5 =	vld [tilespmem:s16+$0x20]  }
0x26: {  	v6 =	vld [tilespmem:s16+$0x30]  }
0x27: {  	v3 =	vimm.f32 $0.0e+00;
	v4 =	vimm.f32 $0.0e+00;
	v7 =	vld [tilespmem:s16+$0x40]  }
0x28: {  	v10 =	vimm.f32 $0.0e+00;
	v8 =	vimm.f32 $0.0e+00;
	v11 =	vld [tilespmem:s16+$0x50];
	v0 =	vadd.f32 v0, v3  }
0x29: {  	s14 =	simm.s32 $0x100;
	s15 =	simm.s32 $0x800;
	v9 =	vimm.f32 $0.0e+00;
	v12 =	vld [tilespmem:s16+$0x60];
	v1 =	vadd.f32 v1, v3;
	v2 =	vadd.f32 v2, v3  }
.LBB2_6:
0x2a: {  	p0 =	sne.s32 s15, $0x3FC00;
	v13 =	vld [tilespmem:s14+$0x70];
	v3 =	vadd.f32 v5, v3  }
0x2b: {  	v14 =	vld [tilespmem:s14+$0x0];
	v4 =	vadd.f32 v6, v4  }
0x2c: {  	v15 =	vld [tilespmem:s14+$0x10];
	v10 =	vadd.f32 v7, v10  }
.Ltmp2:
0x2d: {  	v5 =	vld [tilespmem:s14+$0x20];
	v8 =	vadd.f32 v11, v8;
	(pc) =	sbr.rel @p0 .LBB2_6-.Ltmp2, $4  }
0x2e: {  	v6 =	vld [tilespmem:s14+$0x30];
	v9 =	vadd.f32 v12, v9  }
0x2f: {  	v7 =	vld [tilespmem:s14+$0x40];
	v0 =	vadd.f32 v13, v0  }
0x30: {  	v1 =	vadd.f32 v14, v1;
	v11 =	vld [tilespmem:s14+$0x50]  }
0x31: {  	v2 =	vadd.f32 v15, v2;
	v12 =	vld [tilespmem:s14+$0x60];
	s14 =	sshra.s32 s15, $0x2;
	s15 =	sadd.s32 $0x400, s15  }
0x32: {  	v13 =	vld [tilespmem:s14+$0x70]  }
0x33: {  	v14 =	vld [tilespmem:s14+$0x0]  }
0x34: {  	v15 =	vld [tilespmem:s14+$0x10]  }
0x35: {  	v16 =	vld [tilespmem:s14+$0x20]  }
0x36: {  	v17 =	vld [tilespmem:s14+$0x30]  }
0x37: {  	v18 =	vld [tilespmem:s14+$0x40]  }
0x38: {  	v3 =	vadd.f32 v5, v3;
	v19 =	vld [tilespmem:s14+$0x50]  }
0x39: {  	v21 =	vld [tilespmem:s14+$0x60];
	v20 =	vadd.f32 v6, v4;
	v10 =	vadd.f32 v7, v10  }
0x3a: {  	v8 =	vadd.f32 v11, v8;
	v9 =	vadd.f32 v12, v9  }
0x3b: {  	v5 =	vadd.f32 v13, v0;
	v6 =	vadd.f32 v14, v1  }
0x3c: {  	v7 =	vadd.f32 v15, v2;
	v4 =	vadd.f32 v16, v3  }
0x3d: {  	s14 =	simm.s32 $0x0;
	v0 =	vadd.f32 v17, v20;
	v1 =	vadd.f32 v18, v10  }
0x3e: {  	s15 =	simm.s32 $0x10;
	s17 =	sadd.s32 $0x0, s6;
	s16 =	simm.s32 $0x100;
	v2 =	vadd.f32 v19, v8;
	v3 =	vadd.f32 v21, v9  }
.LBB2_8:
0x3f: {  	[tilespmem:s14], [sflag:$0x1] =	stream.linear.gather [hbm4b:s17+s2], $0x80, $0x38;
	[tilespmem:$0x10080] =	vst v63  }
0x40: {  	s17 =	smov.u32 s15;
	s14 =	smov.u32 s16;
	p0 =	sne.s32 s15, $0xFF0  }
.Ltmp3:
0x41: {  	s15 =	sadd.s32 $0x10, s15;
	(pc) =	sbr.rel @p0 .LBB2_8-.Ltmp3, $2  }
0x42: {  	_ =	sdelay $0x2  }
0x43: {  	s16 =	sadd.s32 $0x100, s16;
	s17 =	sadd.s32 s17, s6  }
0x44: {  	[tilespmem:s14], [sflag:$0x1] =	stream.linear.gather [hbm4b:s17+s2], $0x80, $0x38;
	[tilespmem:$0x10080] =	vst v63  }
0x45: {  	_ =	swait.ge [sflag:s10], $0x8000  }
0x46: {  	[sflag:s10] =	ssyncset.done $0x0  }
0x47: {  	s16 =	simm.s32 $0x0;
	[sflag:s10] =	ssyncadd.s32 $0xFFFF8000  }
0x48: {  	v11 =	vld [tilespmem:s16+$0xF0]  }
0x49: {  	v12 =	vld [tilespmem:s16+$0x80]  }
0x4a: {  	v13 =	vld [tilespmem:s16+$0x90]  }
0x4b: {  	v10 =	vld [tilespmem:s16+$0xA0]  }
0x4c: {  	v8 =	vld [tilespmem:s16+$0xB0]  }
0x4d: {  	v9 =	vld [tilespmem:s16+$0xC0]  }
0x4e: {  	v5 =	vadd.f32 v11, v5;
	v11 =	vld [tilespmem:s16+$0xD0]  }
0x4f: {  	s14 =	simm.s32 $0x100;
	s15 =	simm.s32 $0x800;
	v6 =	vadd.f32 v12, v6;
	v7 =	vadd.f32 v13, v7;
	v12 =	vld [tilespmem:s16+$0xE0]  }
.LBB2_10:
0x50: {  	p0 =	sne.s32 s15, $0x3FC00;
	v13 =	vld [tilespmem:s14+$0xF0];
	v4 =	vadd.f32 v10, v4  }
0x51: {  	v14 =	vld [tilespmem:s14+$0x80];
	v0 =	vadd.f32 v8, v0  }
0x52: {  	v15 =	vld [tilespmem:s14+$0x90];
	v1 =	vadd.f32 v9, v1  }
.Ltmp4:
0x53: {  	v10 =	vld [tilespmem:s14+$0xA0];
	v2 =	vadd.f32 v11, v2;
	(pc) =	sbr.rel @p0 .LBB2_10-.Ltmp4, $4  }
0x54: {  	v8 =	vld [tilespmem:s14+$0xB0];
	v3 =	vadd.f32 v12, v3  }
0x55: {  	v9 =	vld [tilespmem:s14+$0xC0];
	v5 =	vadd.f32 v13, v5  }
0x56: {  	v6 =	vadd.f32 v14, v6;
	v11 =	vld [tilespmem:s14+$0xD0]  }
0x57: {  	v7 =	vadd.f32 v15, v7;
	v12 =	vld [tilespmem:s14+$0xE0];
	s14 =	sshra.s32 s15, $0x2;
	s15 =	sadd.s32 $0x400, s15  }
0x58: {  	v13 =	vld [tilespmem:s14+$0xF0]  }
0x59: {  	v14 =	vld [tilespmem:s14+$0x80]  }
0x5a: {  	v15 =	vld [tilespmem:s14+$0x90]  }
0x5b: {  	v16 =	vld [tilespmem:s14+$0xA0]  }
0x5c: {  	v17 =	vld [tilespmem:s14+$0xB0]  }
0x5d: {  	v18 =	vld [tilespmem:s14+$0xC0]  }
0x5e: {  	v4 =	vadd.f32 v10, v4;
	v61 =	vld [tilespmem:s14+$0xD0]  }
0x5f: {  	v0 =	vadd.f32 v8, v0;
	v8 =	vld [tilespmem:s14+$0xE0];
	v1 =	vadd.f32 v9, v1  }
0x60: {  	v62 =	vadd.f32 v11, v2;
	v63 =	vadd.f32 v12, v3  }
0x61: {  	v5 =	vadd.f32 v13, v5;
	v6 =	vadd.f32 v14, v6  }
0x62: {  	v7 =	vadd.f32 v15, v7;
	v2 =	vadd.f32 v16, v4  }
0x63: {  	s15 =	simm.s32 $0x10;
	v3 =	vadd.f32 v17, v0;
	v0 =	vadd.f32 v18, v1  }
0x64: {  	s17 =	sadd.s32 $0x0, s7;
	s16 =	simm.s32 $0x180;
	s14 =	simm.s32 $0x80;
	v4 =	vadd.f32 v61, v62;
	v1 =	vadd.f32 v8, v63  }
.LBB2_12:
0x65: {  	[tilespmem:s14], [sflag:$0x2] =	stream.linear.gather [hbm4b:s17+s2], $0x80, $0x38;
	[tilespmem:$0x10080] =	vst v63  }
0x66: {  	s17 =	smov.u32 s15;
	s14 =	smov.u32 s16;
	p0 =	sne.s32 s15, $0xFF0  }
.Ltmp5:
0x67: {  	s15 =	sadd.s32 $0x10, s15;
	(pc) =	sbr.rel @p0 .LBB2_12-.Ltmp5, $2  }
0x68: {  	_ =	sdelay $0x2  }
0x69: {  	s16 =	sadd.s32 $0x100, s16;
	s17 =	sadd.s32 s17, s7  }
0x6a: {  	[tilespmem:s14], [sflag:$0x2] =	stream.linear.gather [hbm4b:s17+s2], $0x80, $0x38;
	[tilespmem:$0x10080] =	vst v63  }
0x6b: {  	_ =	swait.ge [sflag:s3], $0x8000  }
0x6c: {  	[sflag:s3] =	ssyncset.done $0x0  }
0x6d: {  	s16 =	simm.s32 $0x0;
	[sflag:s3] =	ssyncadd.s32 $0xFFFF8000  }
0x6e: {  	v11 =	vld [tilespmem:s16+$0x70]  }
0x6f: {  	v12 =	vld [tilespmem:s16+$0x0]  }
0x70: {  	v13 =	vld [tilespmem:s16+$0x10]  }
0x71: {  	v9 =	vld [tilespmem:s16+$0x20]  }
0x72: {  	v10 =	vld [tilespmem:s16+$0x30]  }
0x73: {  	v8 =	vld [tilespmem:s16+$0x40]  }
0x74: {  	v5 =	vadd.f32 v11, v5;
	v11 =	vld [tilespmem:s16+$0x50]  }
0x75: {  	s14 =	simm.s32 $0x100;
	s15 =	simm.s32 $0x800;
	v6 =	vadd.f32 v12, v6;
	v7 =	vadd.f32 v13, v7;
	v12 =	vld [tilespmem:s16+$0x60]  }
.LBB2_14:
0x76: {  	p0 =	sne.s32 s15, $0x3FC00;
	v13 =	vld [tilespmem:s14+$0x70];
	v2 =	vadd.f32 v9, v2  }
0x77: {  	v14 =	vld [tilespmem:s14+$0x0];
	v3 =	vadd.f32 v10, v3  }
0x78: {  	v15 =	vld [tilespmem:s14+$0x10];
	v0 =	vadd.f32 v8, v0  }
.Ltmp6:
0x79: {  	v9 =	vld [tilespmem:s14+$0x20];
	v4 =	vadd.f32 v11, v4;
	(pc) =	sbr.rel @p0 .LBB2_14-.Ltmp6, $4  }
0x7a: {  	v10 =	vld [tilespmem:s14+$0x30];
	v1 =	vadd.f32 v12, v1  }
0x7b: {  	v8 =	vld [tilespmem:s14+$0x40];
	v5 =	vadd.f32 v13, v5  }
0x7c: {  	v6 =	vadd.f32 v14, v6;
	v11 =	vld [tilespmem:s14+$0x50]  }
0x7d: {  	v7 =	vadd.f32 v15, v7;
	v12 =	vld [tilespmem:s14+$0x60];
	s14 =	sshra.s32 s15, $0x2;
	s15 =	sadd.s32 $0x400, s15  }
0x7e: {  	v13 =	vld [tilespmem:s14+$0x70]  }
0x7f: {  	v14 =	vld [tilespmem:s14+$0x0]  }
0x80: {  	v15 =	vld [tilespmem:s14+$0x10]  }
0x81: {  	v16 =	vld [tilespmem:s14+$0x20]  }
0x82: {  	v17 =	vld [tilespmem:s14+$0x30]  }
0x83: {  	v18 =	vld [tilespmem:s14+$0x40]  }
0x84: {  	v19 =	vld [tilespmem:s14+$0x50]  }
0x85: {  	v20 =	vld [tilespmem:s14+$0x60];
	_ =	swait.ge [sflag:s10], $0x8000  }
0x86: {  	[sflag:s10] =	ssyncset.done $0x0  }
0x87: {  	s16 =	simm.s32 $0x0;
	[sflag:s10] =	ssyncadd.s32 $0xFFFF8000  }
0x88: {  	v2 =	vadd.f32 v9, v2;
	v3 =	vadd.f32 v10, v3;
	v21 =	vld [tilespmem:s16+$0xF0]  }
0x89: {  	v0 =	vadd.f32 v8, v0;
	v8 =	vadd.f32 v11, v4;
	v11 =	vld [tilespmem:s16+$0x80]  }
0x8a: {  	v1 =	vadd.f32 v12, v1;
	v12 =	vadd.f32 v13, v5;
	v13 =	vld [tilespmem:s16+$0x90]  }
0x8b: {  	v10 =	vld [tilespmem:s16+$0xA0];
	v14 =	vadd.f32 v14, v6;
	v15 =	vadd.f32 v15, v7  }
0x8c: {  	v9 =	vld [tilespmem:s16+$0xB0];
	v5 =	vadd.f32 v16, v2;
	v4 =	vadd.f32 v17, v3  }
0x8d: {  	v3 =	vadd.f32 v18, v0;
	v2 =	vadd.f32 v19, v8;
	v6 =	vld [tilespmem:s16+$0xC0]  }
0x8e: {  	v7 =	vld [tilespmem:s16+$0xD0];
	v1 =	vadd.f32 v20, v1;
	v0 =	vadd.f32 v21, v12  }
0x8f: {  	s14 =	simm.s32 $0x100;
	s15 =	simm.s32 $0x800;
	v8 =	vld [tilespmem:s16+$0xE0];
	v11 =	vadd.f32 v11, v14;
	v12 =	vadd.f32 v13, v15  }
.LBB2_16:
0x90: {  	p0 =	sne.s32 s15, $0x3FC00;
	v13 =	vld [tilespmem:s14+$0xF0];
	v5 =	vadd.f32 v10, v5  }
0x91: {  	v14 =	vld [tilespmem:s14+$0x80];
	v4 =	vadd.f32 v9, v4  }
0x92: {  	v15 =	vld [tilespmem:s14+$0x90];
	v3 =	vadd.f32 v6, v3  }
.Ltmp7:
0x93: {  	v10 =	vld [tilespmem:s14+$0xA0];
	v2 =	vadd.f32 v7, v2;
	(pc) =	sbr.rel @p0 .LBB2_16-.Ltmp7, $4  }
0x94: {  	v9 =	vld [tilespmem:s14+$0xB0];
	v1 =	vadd.f32 v8, v1  }
0x95: {  	v6 =	vld [tilespmem:s14+$0xC0];
	v0 =	vadd.f32 v13, v0  }
0x96: {  	v11 =	vadd.f32 v14, v11;
	v7 =	vld [tilespmem:s14+$0xD0]  }
0x97: {  	v12 =	vadd.f32 v15, v12;
	v8 =	vld [tilespmem:s14+$0xE0];
	s14 =	sshra.s32 s15, $0x2;
	s15 =	sadd.s32 $0x400, s15  }
0x98: {  	v13 =	vld [tilespmem:s14+$0x80]  }
0x99: {  	v14 =	vld [tilespmem:s14+$0x90];
	_ =	sdelay $0x1  }
0x9a: {  	v15 =	vld [tilespmem:s14+$0xA0];
	_ =	sdelay $0x1  }
0x9b: {  	v5 =	vadd.f32 v10, v5;
	v59 =	vld [tilespmem:s14+$0xB0]  }
0x9c: {  	v11 =	vadd.f32 v13, v11;
	v12 =	vadd.f32 v14, v12  }
0x9d: {  	v60 =	vld [tilespmem:s14+$0xC0];
	v4 =	vadd.f32 v9, v4  }
0x9e: {  	v5 =	vadd.f32 v15, v5;
	v11 =	vadd.f32 v12, v11  }
0x9f: {  	v61 =	vld [tilespmem:s14+$0xD0];
	v3 =	vadd.f32 v6, v3  }
0xa0: {  	v4 =	vadd.f32 v59, v4;
	v5 =	vadd.f32 v5, v11  }
0xa1: {  	v62 =	vld [tilespmem:s14+$0xE0];
	v2 =	vadd.f32 v7, v2  }
0xa2: {  	v3 =	vadd.f32 v60, v3;
	v4 =	vadd.f32 v4, v5  }
0xa3: {  	v63 =	vld [tilespmem:s14+$0xF0];
	v1 =	vadd.f32 v8, v1  }
0xa4: {  	v2 =	vadd.f32 v61, v2;
	v3 =	vadd.f32 v3, v4;
	_ =	sdelay $0x1  }
0xa5: {  	v1 =	vadd.f32 v62, v1;
	v2 =	vadd.f32 v2, v3;
	_ =	sdelay $0x1  }
0xa6: {  	v0 =	vadd.f32 v63, v0;
	v1 =	vadd.f32 v1, v2;
	_ =	sdelay $0x1  }
0xa7: {  	s13 =	sadd.s32 $0x1, s13;
	v0 =	vadd.f32 v0, v1  }
0xa8: {  	p0 =	sne.s32 s13, s9  }
.Ltmp8:
0xa9: {  	[tilespmem:$0x10000] =	vst v0;
	(pc) =	sbr.rel @p0 .LBB2_1-.Ltmp8, $4  }
0xaa: {  	[hbm4b:s8+s2] =	stream.linear.scatter [tilespmem:s11], [sflag:$0x3], $0x10, $0x38;
	[tilespmem:$0x10080] =	vst v63  }
0xab: {  	_ =	swait.ge [sflag:s12], $0x10  }
0xac: {  	[sflag:s12] =	ssyncset.done $0x0  }
0xad: {  	[sflag:s12] =	ssyncadd.s32 $0xFFFFFFF0  }
0xae: {  	_ =	sfence.sel $0x180000  }
0xaf: {  	[bflag:$0x0] =	sbarrier.arrive $0xFFFF  }
0xb0: {  	p0 =	sne.s32 s0, $0x0;
	_ =	strace $0x90000047  }
0xb1: {  	s0 =	sadd.s32 @!p0 $0x100000, s1;
	[bflag:$0x2] =	sbarrier.arrive $0xFFFF  }
0xb2: {  	[sflag:s0] =	ssyncadd.tile.s32 @!p0 $0x1;
	_ =	shalt  }
.Lfunc_end2:
_tile_overlayer_lowered:
.L_overlay_start_2:
0xb3: {  	(tag) =	ssettag $0x2  }
0xb4: {  	s0 =	rddreg [dreg:$0x0];
	s2 =	stileid.u32  }
0xb5: {  	s1 =	rddreg [dreg:$0x1];
	p0 =	sne.s32 s2, $0x0  }
0xb6: {  	s3 =	rddreg [dreg:$0x2];
	[bflag:$0x3] =	sbarrier.arrive $0xFFFF;
	s2 =	simm.s32 @!p0 $0x1C03  }
0xb7: {  	[timem:s3], [sflag:s2] =	dma.local @!p0 [hbm:s0], s1  }
0xb8: {  	s0 =	simm.s32 @!p0 $0x3  }
0xb9: {  	_ =	swait.ge @!p0 [sflag:s0], s1  }
0xba: {  	s1 =	ssub.s32 @!p0 $0x0, s1;
	[sflag:s0] =	ssyncset.done @!p0 $0x0  }
0xbb: {  	[sflag:s0] =	ssyncadd.s32 @!p0 s1  }
0xbc: {  	[bflag:$0x3] =	sbarrier.arrive $0xFFFF  }
0xbd: {  	_ =	shalt  }

</sc_bundles>
